<compile_context>
chip_gen: v7x
topology: tpu7x:2x2x1
jax: 0.10.2.dev20260603
libtpu: 0.0.44.dev20260713+nightly
codegen_flags: <defaults>
</compile_context>

<pallas_src>
import functools

import jax
import jax.numpy as jnp
from jax import lax
from jax.experimental import pallas as pl
from jax.experimental.pallas import tpu as pltpu
from jax.experimental.pallas import tpu_sc as plsc

D_MODEL = 64
BATCH = 4096
HIST = 200
TAB_ROWS = 3001
TAB_PAD = 3072

_info = plsc.get_sparse_core_info()
NC = _info.num_cores
NS = _info.num_subcores
NW = NC * NS
N_CGRP = 8
N_NGRP = NW // N_CGRP
COLS_W = D_MODEL // N_CGRP
N_PER_W = HIST // N_NGRP


def _make_gather():
  mesh = plsc.VectorSubcoreMesh(core_axis_name="c", subcore_axis_name="s")

  @functools.partial(
      pl.kernel,
      mesh=mesh,
      out_type=jax.ShapeDtypeStruct((HIST, D_MODEL, 1, BATCH), jnp.float32),
      compiler_params=pltpu.CompilerParams(
          needs_layout_passes=False, use_tc_tiling_on_sc=False),
      scratch_types=[
          pltpu.VMEM_SHARED((D_MODEL, TAB_PAD), jnp.float32),
          pltpu.VMEM((BATCH,), jnp.int32),
          pltpu.VMEM((BATCH,), jnp.int32),
          pltpu.VMEM((COLS_W, 1, BATCH), jnp.float32),
          pltpu.VMEM((COLS_W, 1, BATCH), jnp.float32),
          pltpu.SemaphoreType.DMA,
          pltpu.SemaphoreType.DMA,
          pltpu.SemaphoreType.DMA,
          pltpu.SemaphoreType.DMA,
          pltpu.SemaphoreType.DMA,
      ],
  )
  def gather_kernel(idx_hbm, pet_hbm, out_hbm, spmem_tab, idxb0, idxb1,
                    outb0, outb1, s_i0, s_i1, s_o0, s_o1, s_g):
    wid = lax.axis_index("s") * NC + lax.axis_index("c")
    c0 = (wid % N_CGRP) * COLS_W
    n0 = (wid // N_CGRP) * N_PER_W

    @pl.when(lax.axis_index("s") == 0)
    def _():
      pltpu.sync_copy(pet_hbm, spmem_tab)
    plsc.subcore_barrier()

    slots = ((idxb0, outb0, s_i0, s_o0), (idxb1, outb1, s_i1, s_o1))

    def idx_src(n):
      return idx_hbm.at[pl.ds(n * BATCH, BATCH)]

    def out_dst(n):
      return out_hbm.at[n, pl.ds(c0, COLS_W)]

    pltpu.async_copy(idx_src(n0), idxb0, s_i0)

    def pair(j, carry):
      for b in range(2):
        idxb, outb, s_i, s_o = slots[b]
        o_idxb, _, o_s_i, _ = slots[1 - b]
        n_i = 2 * j + b
        n = n0 + n_i

        pltpu.make_async_copy(idx_src(n), idxb, s_i).wait()

        if b == 0:
          pltpu.async_copy(idx_src(n + 1), o_idxb, o_s_i)
        else:
          @pl.when(j < N_PER_W // 2 - 1)
          def _():
            pltpu.async_copy(idx_src(n + 1), o_idxb, o_s_i)

        @pl.when(j >= 1)
        def _():
          pltpu.make_async_copy(outb, out_dst(n - 2), s_o).wait()

        hs = [
            pltpu.async_copy(spmem_tab.at[c0 + c].at[idxb], outb.at[c, 0], s_g)
            for c in range(COLS_W)
        ]
        for h in hs:
          h.wait()
        pltpu.async_copy(outb, out_dst(n), s_o)
      return carry

    lax.fori_loop(0, N_PER_W // 2, pair, 0)

    pltpu.make_async_copy(outb0, out_dst(n0 + N_PER_W - 2), s_o0).wait()
    pltpu.make_async_copy(outb1, out_dst(n0 + N_PER_W - 1), s_o1).wait()

  return gather_kernel


_gather = _make_gather()


def kernel(doy, pe):
  idx_nb = doy.T.reshape(HIST * BATCH)
  pe_t = jnp.pad(pe.T, ((0, 0), (0, TAB_PAD - TAB_ROWS)))
  out = _gather(idx_nb, pe_t)
  return jnp.transpose(out, (3, 0, 1, 2))[:, :, :, :, None]

# --- scband reference (transcript-rebuilt; emitter-appended) ---
"""Pipeline reference for scband-positional-encoding-48361331753556 (READ-ONLY COPY).

The authoritative reference and input builder live on the scoring server;
editing this copy changes nothing except your own understanding.
"""

import math
import jax, jax.numpy as jnp
import numpy as np

D_MODEL = 64
MAX_LEN = 3000
T = 10000
BATCH = 4096
HIST = 200


def _build_pe(d_model=D_MODEL, max_len=MAX_LEN, T_=T):
    pe = np.zeros((max_len + 1, d_model), dtype=np.float32)
    position = np.arange(0, max_len, dtype=np.float32)[:, None]
    div_term = np.exp(np.arange(0, d_model, 2, dtype=np.float32) * -(math.log(T_) / d_model))
    pe[1:, 0::2] = np.sin(position * div_term)
    pe[1:, 1::2] = np.cos(position * div_term)
    return jnp.asarray(pe)


def setup_inputs(seed: int = 0) -> dict:
    key = jax.random.key(seed)
    doy = jax.random.randint(key, (BATCH, HIST), 0, MAX_LEN + 1, dtype=jnp.int32)
    pe = _build_pe()  # buffer, shape [max_len+1, d_model]
    return {"doy": doy, "pe": pe}


def reference(doy, pe):
    # torch: pe_batch = repeat_interleave(pe[None], b, 0); stack([pe_batch[b, i] for b, i in enumerate(doy)])
    # is equivalent to a row-gather from the shared table: pe[doy] -> [b, n, d_model]
    res = jnp.take(pe, doy.astype(jnp.int32), axis=0)
    # rearrange 'b n c -> b n c 1 1'
    res = res[:, :, :, None, None]
    return res

if __name__ == "__main__":
    import jax
    _d = setup_inputs()
    print(jax.jit(kernel)(*tuple(_d.values())))

</pallas_src>

<mosaic_0001>
#map = affine_map<(d0, d1) -> (0)>
#map1 = affine_map<(d0, d1) -> (0, 0)>
#map2 = affine_map<(d0, d1) -> (0, 0, 0, 0)>
module attributes {stable_mosaic.version = 14 : i64} {
  func.func @gather_kernel(%arg0: i32, %arg1: i32, %arg2: memref<819200xi32, #tpu.memory_space<hbm>>, %arg3: memref<64x3072xf32, #tpu.memory_space<hbm>>, %arg4: memref<200x64x1x4096xf32, #tpu.memory_space<hbm>>, %arg5: memref<64x3072xf32, #tpu.memory_space<vmem_shared>>, %arg6: memref<4096xi32, #tpu.memory_space<vmem>>, %arg7: memref<4096xi32, #tpu.memory_space<vmem>>, %arg8: memref<8x1x4096xf32, #tpu.memory_space<vmem>>, %arg9: memref<8x1x4096xf32, #tpu.memory_space<vmem>>, %arg10: memref<!tpu.dma_semaphore, #tpu.memory_space<semaphore_mem>>, %arg11: memref<!tpu.dma_semaphore, #tpu.memory_space<semaphore_mem>>, %arg12: memref<!tpu.dma_semaphore, #tpu.memory_space<semaphore_mem>>, %arg13: memref<!tpu.dma_semaphore, #tpu.memory_space<semaphore_mem>>, %arg14: memref<!tpu.dma_semaphore, #tpu.memory_space<semaphore_mem>>) attributes {dimension_semantics = [#tpu.dimension_semantics<core_parallel>, #tpu.dimension_semantics<subcore_parallel>], iteration_bounds = array<i64: 2, 16>, scalar_prefetch = 0 : i64, scratch_operands = 10 : i64, tpu.core_type = #tpu.core_type<sc_vector_subcore>, window_params = [{transform_indices = #map}, {transform_indices = #map1}, {transform_indices = #map2}]} {
    %mul3A = arith.constant 2 : i32
    %mul3A_0 = arith.muli %arg1, %mul3A : i32
    %add3A = arith.addi %mul3A_0, %arg0 : i32
    %jit3A = arith.constant 8 : i32
    %eq3A = arith.constant 0 : i32
    %eq3A_1 = arith.cmpi eq, %jit3A, %eq3A : i32
    %jit3A_2 = arith.constant 1 : i32
    %select_n3A = arith.select %eq3A_1, %jit3A_2, %jit3A : i32
    %rem3A = arith.remsi %add3A, %select_n3A : i32
    %ne3A = arith.constant 0 : i32
    %ne3A_3 = arith.cmpi ne, %rem3A, %ne3A : i32
    %lt3A = arith.constant 0 : i32
    %lt3A_4 = arith.cmpi slt, %rem3A, %lt3A : i32
    %lt3A_5 = arith.constant 0 : i32
    %lt3A_6 = arith.cmpi slt, %select_n3A, %lt3A_5 : i32
    %ne3A_7 = arith.xori %lt3A_4, %lt3A_6 : i1
    %and3A = arith.andi %ne3A_7, %ne3A_3 : i1
    %add3A_8 = arith.addi %rem3A, %select_n3A : i32
    %select_n3A_9 = arith.select %and3A, %add3A_8, %rem3A : i32
    %mul3A_10 = arith.constant 8 : i32
    %mul3A_11 = arith.muli %select_n3A_9, %mul3A_10 : i32
    %jit3A_12 = arith.constant 8 : i32
    %div3A = arith.divsi %add3A, %jit3A_12 : i32
    %sign3A = arith.constant 0 : i32
    %sign3A_13 = arith.cmpi sgt, %add3A, %sign3A : i32
    %sign3A_14 = arith.extui %sign3A_13 : i1 to i32
    %sign3A_15 = arith.constant 0 : i32
    %sign3A_16 = arith.cmpi slt, %add3A, %sign3A_15 : i32
    %sign3A_17 = arith.extui %sign3A_16 : i1 to i32
    %sign3A_18 = arith.subi %sign3A_14, %sign3A_17 : i32
    %sign3A_19 = arith.constant 0 : i32
    %sign3A_20 = arith.cmpi sgt, %jit3A_12, %sign3A_19 : i32
    %sign3A_21 = arith.extui %sign3A_20 : i1 to i32
    %sign3A_22 = arith.constant 0 : i32
    %sign3A_23 = arith.cmpi slt, %jit3A_12, %sign3A_22 : i32
    %sign3A_24 = arith.extui %sign3A_23 : i1 to i32
    %sign3A_25 = arith.subi %sign3A_21, %sign3A_24 : i32
    %ne3A_26 = arith.cmpi ne, %sign3A_18, %sign3A_25 : i32
    %rem3A_27 = arith.remsi %add3A, %jit3A_12 : i32
    %ne3A_28 = arith.constant 0 : i32
    %ne3A_29 = arith.cmpi ne, %rem3A_27, %ne3A_28 : i32
    %and3A_30 = arith.andi %ne3A_26, %ne3A_29 : i1
    %sub3A = arith.constant 1 : i32
    %sub3A_31 = arith.subi %div3A, %sub3A : i32
    %select_n3A_32 = arith.select %and3A_30, %sub3A_31, %div3A : i32
    %mul3A_33 = arith.constant 50 : i32
    %mul3A_34 = arith.muli %select_n3A_32, %mul3A_33 : i32
    %eq3A_35 = arith.constant 0 : i32
    %eq3A_36 = arith.cmpi eq, %arg1, %eq3A_35 : i32
    %convert_element_type3A = arith.extui %eq3A_36 : i1 to i32
    %cond3A = arith.constant 0 : i32
    %cond3A_37 = arith.cmpi ne, %convert_element_type3A, %cond3A : i32
    scf.if %cond3A_37 {
      "tpu.region"() ({
        %run_scoped3A = tpu.sem_alloc : memref<!tpu.dma_semaphore, #tpu.memory_space<semaphore_mem>>
        tpu.enqueue_dma source(%arg3 : memref<64x3072xf32, #tpu.memory_space<hbm>>) target(%arg5 : memref<64x3072xf32, #tpu.memory_space<vmem_shared>>) target_semaphore(%run_scoped3A : memref<!tpu.dma_semaphore, #tpu.memory_space<semaphore_mem>>)
        tpu.wait_dma2 semaphore(%run_scoped3A : memref<!tpu.dma_semaphore, #tpu.memory_space<semaphore_mem>>) src(%arg3 : memref<64x3072xf32, #tpu.memory_space<hbm>>) dst(%arg5 : memref<64x3072xf32, #tpu.memory_space<vmem_shared>>)
        tpu.yield
      }) : () -> ()
    } else {
    }
    %barrier3A = arith.constant 0 : index
    tpu.barrier barrier_id(%barrier3A)
    %mul3A_38 = arith.constant 4096 : i32
    %mul3A_39 = arith.muli %mul3A_34, %mul3A_38 : i32
    %dma_start3A = tpu.memref_slice %arg2[%mul3A_39] : memref<819200xi32, #tpu.memory_space<hbm>> -> memref<4096xi32, #tpu.memory_space<hbm>>
    %dma_start3A_40 = tpu.memref_slice %arg2[%mul3A_39] : memref<819200xi32, #tpu.memory_space<hbm>> -> memref<4096xi32, #tpu.memory_space<hbm>>
    tpu.enqueue_dma source(%dma_start3A_40 : memref<4096xi32, #tpu.memory_space<hbm>>) target(%arg6 : memref<4096xi32, #tpu.memory_space<vmem>>) target_semaphore(%arg10 : memref<!tpu.dma_semaphore, #tpu.memory_space<semaphore_mem>>)
    %scan3A = arith.constant 0 : i32
    %scan3A_41 = arith.constant 0 : i32
    %scan3A_42 = arith.constant 25 : i32
    %scan3A_43 = arith.addi %scan3A_41, %scan3A_42 : i32
    %scan3A_44 = arith.constant 1 : i32
    scf.for %scan3A_69 = %scan3A_41 to %scan3A_43 step %scan3A_44  : i32 {
      %mul3A_70 = arith.constant 2 : i32
      %mul3A_71 = arith.muli %mul3A_70, %scan3A_69 : i32
      %add3A_72 = arith.constant 0 : i32
      %add3A_73 = arith.addi %mul3A_71, %add3A_72 : i32
      %add3A_74 = arith.addi %mul3A_34, %add3A_73 : i32
      %mul3A_75 = arith.constant 4096 : i32
      %mul3A_76 = arith.muli %add3A_74, %mul3A_75 : i32
      %dma_wait3A_77 = tpu.memref_slice %arg2[%mul3A_76] : memref<819200xi32, #tpu.memory_space<hbm>> -> memref<4096xi32, #tpu.memory_space<hbm>>
      %dma_wait3A_78 = tpu.memref_slice %arg2[%mul3A_76] : memref<819200xi32, #tpu.memory_space<hbm>> -> memref<4096xi32, #tpu.memory_space<hbm>>
      tpu.wait_dma2 semaphore(%arg10 : memref<!tpu.dma_semaphore, #tpu.memory_space<semaphore_mem>>) src(%dma_wait3A_78 : memref<4096xi32, #tpu.memory_space<hbm>>) dst(%arg6 : memref<4096xi32, #tpu.memory_space<vmem>>)
      %add3A_79 = arith.constant 1 : i32
      %add3A_80 = arith.addi %add3A_74, %add3A_79 : i32
      %mul3A_81 = arith.constant 4096 : i32
      %mul3A_82 = arith.muli %add3A_80, %mul3A_81 : i32
      %dma_start3A_83 = tpu.memref_slice %arg2[%mul3A_82] : memref<819200xi32, #tpu.memory_space<hbm>> -> memref<4096xi32, #tpu.memory_space<hbm>>
      %dma_start3A_84 = tpu.memref_slice %arg2[%mul3A_82] : memref<819200xi32, #tpu.memory_space<hbm>> -> memref<4096xi32, #tpu.memory_space<hbm>>
      tpu.enqueue_dma source(%dma_start3A_84 : memref<4096xi32, #tpu.memory_space<hbm>>) target(%arg7 : memref<4096xi32, #tpu.memory_space<vmem>>) target_semaphore(%arg11 : memref<!tpu.dma_semaphore, #tpu.memory_space<semaphore_mem>>)
      %ge3A = arith.constant 1 : i32
      %ge3A_85 = arith.cmpi sge, %scan3A_69, %ge3A : i32
      %convert_element_type3A_86 = arith.extui %ge3A_85 : i1 to i32
      %cond3A_87 = arith.constant 0 : i32
      %cond3A_88 = arith.cmpi ne, %convert_element_type3A_86, %cond3A_87 : i32
      scf.if %cond3A_88 {
        %sub3A_476 = arith.constant 2 : i32
        %sub3A_477 = arith.subi %add3A_74, %sub3A_476 : i32
        %dma_wait3A_478 = arith.constant 0 : i32
        %dma_wait3A_479 = arith.constant 0 : i32
        %dma_wait3A_480 = tpu.memref_slice %arg4[%sub3A_477, %mul3A_11, %dma_wait3A_478, %dma_wait3A_479] : memref<200x64x1x4096xf32, #tpu.memory_space<hbm>> -> memref<1x8x1x4096xf32, #tpu.memory_space<hbm>>
        %dma_wait3A_481 = tpu.memref_squeeze %dma_wait3A_480 : memref<1x8x1x4096xf32, #tpu.memory_space<hbm>> -> memref<8x1x4096xf32, #tpu.memory_space<hbm>>
        %dma_wait3A_482 = arith.constant 0 : i32
        %dma_wait3A_483 = arith.constant 0 : i32
        %dma_wait3A_484 = tpu.memref_slice %arg4[%sub3A_477, %mul3A_11, %dma_wait3A_482, %dma_wait3A_483] : memref<200x64x1x4096xf32, #tpu.memory_space<hbm>> -> memref<1x8x1x4096xf32, #tpu.memory_space<hbm>>
        %dma_wait3A_485 = tpu.memref_squeeze %dma_wait3A_484 : memref<1x8x1x4096xf32, #tpu.memory_space<hbm>> -> memref<8x1x4096xf32, #tpu.memory_space<hbm>>
        tpu.wait_dma2 semaphore(%arg12 : memref<!tpu.dma_semaphore, #tpu.memory_space<semaphore_mem>>) src(%arg8 : memref<8x1x4096xf32, #tpu.memory_space<vmem>>) dst(%dma_wait3A_485 : memref<8x1x4096xf32, #tpu.memory_space<hbm>>)
      } else {
      }
      %add3A_89 = arith.constant 0 : i32
      %add3A_90 = arith.addi %mul3A_11, %add3A_89 : i32
      %dma_start3A_91 = arith.constant 0 : i32
      %dma_start3A_92 = arith.constant 0 : i32
      %dma_start3A_93 = arith.constant 0 : i32
      %dma_start3A_94 = tpu.memref_slice %arg8[%dma_start3A_91, %dma_start3A_92, %dma_start3A_93] : memref<8x1x4096xf32, #tpu.memory_space<vmem>> -> memref<1x1x4096xf32, #tpu.memory_space<vmem>>
      %dma_start3A_95 = tpu.memref_squeeze %dma_start3A_94 : memref<1x1x4096xf32, #tpu.memory_space<vmem>> -> memref<4096xf32, #tpu.memory_space<vmem>>
      %dma_start3A_96 = arith.constant 0 : i32
      %dma_start3A_97 = tpu.memref_slice %arg5[%add3A_90, %dma_start3A_96] : memref<64x3072xf32, #tpu.memory_space<vmem_shared>> -> memref<1x3072xf32, #tpu.memory_space<vmem_shared>>
      %dma_start3A_98 = tpu.memref_squeeze %dma_start3A_97 : memref<1x3072xf32, #tpu.memory_space<vmem_shared>> -> memref<3072xf32, #tpu.memory_space<vmem_shared>>
      %dma_start3A_99 = arith.constant 0 : i32
      %dma_start3A_100 = tpu.memref_slice %dma_start3A_98[%dma_start3A_99] : memref<3072xf32, #tpu.memory_space<vmem_shared>> -> memref<3072xf32, #tpu.memory_space<vmem_shared>>
      tpu.enqueue_indirect_dma source(%dma_start3A_100 : memref<3072xf32, #tpu.memory_space<vmem_shared>>) target(%dma_start3A_95 : memref<4096xf32, #tpu.memory_space<vmem>>) offsets(%arg6 : memref<4096xi32, #tpu.memory_space<vmem>>) semaphore(%arg14 : memref<!tpu.dma_semaphore, #tpu.memory_space<semaphore_mem>>)
      %add3A_101 = arith.constant 1 : i32
      %add3A_102 = arith.addi %mul3A_11, %add3A_101 : i32
      %dma_start3A_103 = arith.constant 1 : i32
      %dma_start3A_104 = arith.constant 0 : i32
      %dma_start3A_105 = arith.constant 0 : i32
      %dma_start3A_106 = tpu.memref_slice %arg8[%dma_start3A_103, %dma_start3A_104, %dma_start3A_105] : memref<8x1x4096xf32, #tpu.memory_space<vmem>> -> memref<1x1x4096xf32, #tpu.memory_space<vmem>>
      %dma_start3A_107 = tpu.memref_squeeze %dma_start3A_106 : memref<1x1x4096xf32, #tpu.memory_space<vmem>> -> memref<4096xf32, #tpu.memory_space<vmem>>
      %dma_start3A_108 = arith.constant 0 : i32
      %dma_start3A_109 = tpu.memref_slice %arg5[%add3A_102, %dma_start3A_108] : memref<64x3072xf32, #tpu.memory_space<vmem_shared>> -> memref<1x3072xf32, #tpu.memory_space<vmem_shared>>
      %dma_start3A_110 = tpu.memref_squeeze %dma_start3A_109 : memref<1x3072xf32, #tpu.memory_space<vmem_shared>> -> memref<3072xf32, #tpu.memory_space<vmem_shared>>
      %dma_start3A_111 = arith.constant 0 : i32
      %dma_start3A_112 = tpu.memref_slice %dma_start3A_110[%dma_start3A_111] : memref<3072xf32, #tpu.memory_space<vmem_shared>> -> memref<3072xf32, #tpu.memory_space<vmem_shared>>
      tpu.enqueue_indirect_dma source(%dma_start3A_112 : memref<3072xf32, #tpu.memory_space<vmem_shared>>) target(%dma_start3A_107 : memref<4096xf32, #tpu.memory_space<vmem>>) offsets(%arg6 : memref<4096xi32, #tpu.memory_space<vmem>>) semaphore(%arg14 : memref<!tpu.dma_semaphore, #tpu.memory_space<semaphore_mem>>)
      %add3A_113 = arith.constant 2 : i32
      %add3A_114 = arith.addi %mul3A_11, %add3A_113 : i32
      %dma_start3A_115 = arith.constant 2 : i32
      %dma_start3A_116 = arith.constant 0 : i32
      %dma_start3A_117 = arith.constant 0 : i32
      %dma_start3A_118 = tpu.memref_slice %arg8[%dma_start3A_115, %dma_start3A_116, %dma_start3A_117] : memref<8x1x4096xf32, #tpu.memory_space<vmem>> -> memref<1x1x4096xf32, #tpu.memory_space<vmem>>
      %dma_start3A_119 = tpu.memref_squeeze %dma_start3A_118 : memref<1x1x4096xf32, #tpu.memory_space<vmem>> -> memref<4096xf32, #tpu.memory_space<vmem>>
      %dma_start3A_120 = arith.constant 0 : i32
      %dma_start3A_121 = tpu.memref_slice %arg5[%add3A_114, %dma_start3A_120] : memref<64x3072xf32, #tpu.memory_space<vmem_shared>> -> memref<1x3072xf32, #tpu.memory_space<vmem_shared>>
      %dma_start3A_122 = tpu.memref_squeeze %dma_start3A_121 : memref<1x3072xf32, #tpu.memory_space<vmem_shared>> -> memref<3072xf32, #tpu.memory_space<vmem_shared>>
      %dma_start3A_123 = arith.constant 0 : i32
      %dma_start3A_124 = tpu.memref_slice %dma_start3A_122[%dma_start3A_123] : memref<3072xf32, #tpu.memory_space<vmem_shared>> -> memref<3072xf32, #tpu.memory_space<vmem_shared>>
      tpu.enqueue_indirect_dma source(%dma_start3A_124 : memref<3072xf32, #tpu.memory_space<vmem_shared>>) target(%dma_start3A_119 : memref<4096xf32, #tpu.memory_space<vmem>>) offsets(%arg6 : memref<4096xi32, #tpu.memory_space<vmem>>) semaphore(%arg14 : memref<!tpu.dma_semaphore, #tpu.memory_space<semaphore_mem>>)
      %add3A_125 = arith.constant 3 : i32
      %add3A_126 = arith.addi %mul3A_11, %add3A_125 : i32
      %dma_start3A_127 = arith.constant 3 : i32
      %dma_start3A_128 = arith.constant 0 : i32
      %dma_start3A_129 = arith.constant 0 : i32
      %dma_start3A_130 = tpu.memref_slice %arg8[%dma_start3A_127, %dma_start3A_128, %dma_start3A_129] : memref<8x1x4096xf32, #tpu.memory_space<vmem>> -> memref<1x1x4096xf32, #tpu.memory_space<vmem>>
      %dma_start3A_131 = tpu.memref_squeeze %dma_start3A_130 : memref<1x1x4096xf32, #tpu.memory_space<vmem>> -> memref<4096xf32, #tpu.memory_space<vmem>>
      %dma_start3A_132 = arith.constant 0 : i32
      %dma_start3A_133 = tpu.memref_slice %arg5[%add3A_126, %dma_start3A_132] : memref<64x3072xf32, #tpu.memory_space<vmem_shared>> -> memref<1x3072xf32, #tpu.memory_space<vmem_shared>>
      %dma_start3A_134 = tpu.memref_squeeze %dma_start3A_133 : memref<1x3072xf32, #tpu.memory_space<vmem_shared>> -> memref<3072xf32, #tpu.memory_space<vmem_shared>>
      %dma_start3A_135 = arith.constant 0 : i32
      %dma_start3A_136 = tpu.memref_slice %dma_start3A_134[%dma_start3A_135] : memref<3072xf32, #tpu.memory_space<vmem_shared>> -> memref<3072xf32, #tpu.memory_space<vmem_shared>>
      tpu.enqueue_indirect_dma source(%dma_start3A_136 : memref<3072xf32, #tpu.memory_space<vmem_shared>>) target(%dma_start3A_131 : memref<4096xf32, #tpu.memory_space<vmem>>) offsets(%arg6 : memref<4096xi32, #tpu.memory_space<vmem>>) semaphore(%arg14 : memref<!tpu.dma_semaphore, #tpu.memory_space<semaphore_mem>>)
      %add3A_137 = arith.constant 4 : i32
      %add3A_138 = arith.addi %mul3A_11, %add3A_137 : i32
      %dma_start3A_139 = arith.constant 4 : i32
      %dma_start3A_140 = arith.constant 0 : i32
      %dma_start3A_141 = arith.constant 0 : i32
      %dma_start3A_142 = tpu.memref_slice %arg8[%dma_start3A_139, %dma_start3A_140, %dma_start3A_141] : memref<8x1x4096xf32, #tpu.memory_space<vmem>> -> memref<1x1x4096xf32, #tpu.memory_space<vmem>>
      %dma_start3A_143 = tpu.memref_squeeze %dma_start3A_142 : memref<1x1x4096xf32, #tpu.memory_space<vmem>> -> memref<4096xf32, #tpu.memory_space<vmem>>
      %dma_start3A_144 = arith.constant 0 : i32
      %dma_start3A_145 = tpu.memref_slice %arg5[%add3A_138, %dma_start3A_144] : memref<64x3072xf32, #tpu.memory_space<vmem_shared>> -> memref<1x3072xf32, #tpu.memory_space<vmem_shared>>
      %dma_start3A_146 = tpu.memref_squeeze %dma_start3A_145 : memref<1x3072xf32, #tpu.memory_space<vmem_shared>> -> memref<3072xf32, #tpu.memory_space<vmem_shared>>
      %dma_start3A_147 = arith.constant 0 : i32
      %dma_start3A_148 = tpu.memref_slice %dma_start3A_146[%dma_start3A_147] : memref<3072xf32, #tpu.memory_space<vmem_shared>> -> memref<3072xf32, #tpu.memory_space<vmem_shared>>
      tpu.enqueue_indirect_dma source(%dma_start3A_148 : memref<3072xf32, #tpu.memory_space<vmem_shared>>) target(%dma_start3A_143 : memref<4096xf32, #tpu.memory_space<vmem>>) offsets(%arg6 : memref<4096xi32, #tpu.memory_space<vmem>>) semaphore(%arg14 : memref<!tpu.dma_semaphore, #tpu.memory_space<semaphore_mem>>)
      %add3A_149 = arith.constant 5 : i32
      %add3A_150 = arith.addi %mul3A_11, %add3A_149 : i32
      %dma_start3A_151 = arith.constant 5 : i32
      %dma_start3A_152 = arith.constant 0 : i32
      %dma_start3A_153 = arith.constant 0 : i32
      %dma_start3A_154 = tpu.memref_slice %arg8[%dma_start3A_151, %dma_start3A_152, %dma_start3A_153] : memref<8x1x4096xf32, #tpu.memory_space<vmem>> -> memref<1x1x4096xf32, #tpu.memory_space<vmem>>
      %dma_start3A_155 = tpu.memref_squeeze %dma_start3A_154 : memref<1x1x4096xf32, #tpu.memory_space<vmem>> -> memref<4096xf32, #tpu.memory_space<vmem>>
      %dma_start3A_156 = arith.constant 0 : i32
      %dma_start3A_157 = tpu.memref_slice %arg5[%add3A_150, %dma_start3A_156] : memref<64x3072xf32, #tpu.memory_space<vmem_shared>> -> memref<1x3072xf32, #tpu.memory_space<vmem_shared>>
      %dma_start3A_158 = tpu.memref_squeeze %dma_start3A_157 : memref<1x3072xf32, #tpu.memory_space<vmem_shared>> -> memref<3072xf32, #tpu.memory_space<vmem_shared>>
      %dma_start3A_159 = arith.constant 0 : i32
      %dma_start3A_160 = tpu.memref_slice %dma_start3A_158[%dma_start3A_159] : memref<3072xf32, #tpu.memory_space<vmem_shared>> -> memref<3072xf32, #tpu.memory_space<vmem_shared>>
      tpu.enqueue_indirect_dma source(%dma_start3A_160 : memref<3072xf32, #tpu.memory_space<vmem_shared>>) target(%dma_start3A_155 : memref<4096xf32, #tpu.memory_space<vmem>>) offsets(%arg6 : memref<4096xi32, #tpu.memory_space<vmem>>) semaphore(%arg14 : memref<!tpu.dma_semaphore, #tpu.memory_space<semaphore_mem>>)
      %add3A_161 = arith.constant 6 : i32
      %add3A_162 = arith.addi %mul3A_11, %add3A_161 : i32
      %dma_start3A_163 = arith.constant 6 : i32
      %dma_start3A_164 = arith.constant 0 : i32
      %dma_start3A_165 = arith.constant 0 : i32
      %dma_start3A_166 = tpu.memref_slice %arg8[%dma_start3A_163, %dma_start3A_164, %dma_start3A_165] : memref<8x1x4096xf32, #tpu.memory_space<vmem>> -> memref<1x1x4096xf32, #tpu.memory_space<vmem>>
      %dma_start3A_167 = tpu.memref_squeeze %dma_start3A_166 : memref<1x1x4096xf32, #tpu.memory_space<vmem>> -> memref<4096xf32, #tpu.memory_space<vmem>>
      %dma_start3A_168 = arith.constant 0 : i32
      %dma_start3A_169 = tpu.memref_slice %arg5[%add3A_162, %dma_start3A_168] : memref<64x3072xf32, #tpu.memory_space<vmem_shared>> -> memref<1x3072xf32, #tpu.memory_space<vmem_shared>>
      %dma_start3A_170 = tpu.memref_squeeze %dma_start3A_169 : memref<1x3072xf32, #tpu.memory_space<vmem_shared>> -> memref<3072xf32, #tpu.memory_space<vmem_shared>>
      %dma_start3A_171 = arith.constant 0 : i32
      %dma_start3A_172 = tpu.memref_slice %dma_start3A_170[%dma_start3A_171] : memref<3072xf32, #tpu.memory_space<vmem_shared>> -> memref<3072xf32, #tpu.memory_space<vmem_shared>>
      tpu.enqueue_indirect_dma source(%dma_start3A_172 : memref<3072xf32, #tpu.memory_space<vmem_shared>>) target(%dma_start3A_167 : memref<4096xf32, #tpu.memory_space<vmem>>) offsets(%arg6 : memref<4096xi32, #tpu.memory_space<vmem>>) semaphore(%arg14 : memref<!tpu.dma_semaphore, #tpu.memory_space<semaphore_mem>>)
      %add3A_173 = arith.constant 7 : i32
      %add3A_174 = arith.addi %mul3A_11, %add3A_173 : i32
      %dma_start3A_175 = arith.constant 7 : i32
      %dma_start3A_176 = arith.constant 0 : i32
      %dma_start3A_177 = arith.constant 0 : i32
      %dma_start3A_178 = tpu.memref_slice %arg8[%dma_start3A_175, %dma_start3A_176, %dma_start3A_177] : memref<8x1x4096xf32, #tpu.memory_space<vmem>> -> memref<1x1x4096xf32, #tpu.memory_space<vmem>>
      %dma_start3A_179 = tpu.memref_squeeze %dma_start3A_178 : memref<1x1x4096xf32, #tpu.memory_space<vmem>> -> memref<4096xf32, #tpu.memory_space<vmem>>
      %dma_start3A_180 = arith.constant 0 : i32
      %dma_start3A_181 = tpu.memref_slice %arg5[%add3A_174, %dma_start3A_180] : memref<64x3072xf32, #tpu.memory_space<vmem_shared>> -> memref<1x3072xf32, #tpu.memory_space<vmem_shared>>
      %dma_start3A_182 = tpu.memref_squeeze %dma_start3A_181 : memref<1x3072xf32, #tpu.memory_space<vmem_shared>> -> memref<3072xf32, #tpu.memory_space<vmem_shared>>
      %dma_start3A_183 = arith.constant 0 : i32
      %dma_start3A_184 = tpu.memref_slice %dma_start3A_182[%dma_start3A_183] : memref<3072xf32, #tpu.memory_space<vmem_shared>> -> memref<3072xf32, #tpu.memory_space<vmem_shared>>
      tpu.enqueue_indirect_dma source(%dma_start3A_184 : memref<3072xf32, #tpu.memory_space<vmem_shared>>) target(%dma_start3A_179 : memref<4096xf32, #tpu.memory_space<vmem>>) offsets(%arg6 : memref<4096xi32, #tpu.memory_space<vmem>>) semaphore(%arg14 : memref<!tpu.dma_semaphore, #tpu.memory_space<semaphore_mem>>)
      %dma_wait3A_185 = arith.constant 0 : i32
      %dma_wait3A_186 = arith.constant 0 : i32
      %dma_wait3A_187 = arith.constant 0 : i32
      %dma_wait3A_188 = tpu.memref_slice %arg8[%dma_wait3A_185, %dma_wait3A_186, %dma_wait3A_187] : memref<8x1x4096xf32, #tpu.memory_space<vmem>> -> memref<1x1x4096xf32, #tpu.memory_space<vmem>>
      %dma_wait3A_189 = tpu.memref_squeeze %dma_wait3A_188 : memref<1x1x4096xf32, #tpu.memory_space<vmem>> -> memref<4096xf32, #tpu.memory_space<vmem>>
      %dma_wait3A_190 = arith.constant 0 : i32
      %dma_wait3A_191 = tpu.memref_slice %arg5[%add3A_90, %dma_wait3A_190] : memref<64x3072xf32, #tpu.memory_space<vmem_shared>> -> memref<1x3072xf32, #tpu.memory_space<vmem_shared>>
      %dma_wait3A_192 = tpu.memref_squeeze %dma_wait3A_191 : memref<1x3072xf32, #tpu.memory_space<vmem_shared>> -> memref<3072xf32, #tpu.memory_space<vmem_shared>>
      %dma_wait3A_193 = arith.constant 0 : i32
      %dma_wait3A_194 = tpu.memref_slice %dma_wait3A_192[%dma_wait3A_193] : memref<3072xf32, #tpu.memory_space<vmem_shared>> -> memref<3072xf32, #tpu.memory_space<vmem_shared>>
      tpu.wait_indirect_dma semaphore(%arg14 : memref<!tpu.dma_semaphore, #tpu.memory_space<semaphore_mem>>) src(%dma_wait3A_194 : memref<3072xf32, #tpu.memory_space<vmem_shared>>) dst(%dma_wait3A_189 : memref<4096xf32, #tpu.memory_space<vmem>>)
      %dma_wait3A_195 = arith.constant 1 : i32
      %dma_wait3A_196 = arith.constant 0 : i32
      %dma_wait3A_197 = arith.constant 0 : i32
      %dma_wait3A_198 = tpu.memref_slice %arg8[%dma_wait3A_195, %dma_wait3A_196, %dma_wait3A_197] : memref<8x1x4096xf32, #tpu.memory_space<vmem>> -> memref<1x1x4096xf32, #tpu.memory_space<vmem>>
      %dma_wait3A_199 = tpu.memref_squeeze %dma_wait3A_198 : memref<1x1x4096xf32, #tpu.memory_space<vmem>> -> memref<4096xf32, #tpu.memory_space<vmem>>
      %dma_wait3A_200 = arith.constant 0 : i32
      %dma_wait3A_201 = tpu.memref_slice %arg5[%add3A_102, %dma_wait3A_200] : memref<64x3072xf32, #tpu.memory_space<vmem_shared>> -> memref<1x3072xf32, #tpu.memory_space<vmem_shared>>
      %dma_wait3A_202 = tpu.memref_squeeze %dma_wait3A_201 : memref<1x3072xf32, #tpu.memory_space<vmem_shared>> -> memref<3072xf32, #tpu.memory_space<vmem_shared>>
      %dma_wait3A_203 = arith.constant 0 : i32
      %dma_wait3A_204 = tpu.memref_slice %dma_wait3A_202[%dma_wait3A_203] : memref<3072xf32, #tpu.memory_space<vmem_shared>> -> memref<3072xf32, #tpu.memory_space<vmem_shared>>
      tpu.wait_indirect_dma semaphore(%arg14 : memref<!tpu.dma_semaphore, #tpu.memory_space<semaphore_mem>>) src(%dma_wait3A_204 : memref<3072xf32, #tpu.memory_space<vmem_shared>>) dst(%dma_wait3A_199 : memref<4096xf32, #tpu.memory_space<vmem>>)
      %dma_wait3A_205 = arith.constant 2 : i32
      %dma_wait3A_206 = arith.constant 0 : i32
      %dma_wait3A_207 = arith.constant 0 : i32
      %dma_wait3A_208 = tpu.memref_slice %arg8[%dma_wait3A_205, %dma_wait3A_206, %dma_wait3A_207] : memref<8x1x4096xf32, #tpu.memory_space<vmem>> -> memref<1x1x4096xf32, #tpu.memory_space<vmem>>
      %dma_wait3A_209 = tpu.memref_squeeze %dma_wait3A_208 : memref<1x1x4096xf32, #tpu.memory_space<vmem>> -> memref<4096xf32, #tpu.memory_space<vmem>>
      %dma_wait3A_210 = arith.constant 0 : i32
      %dma_wait3A_211 = tpu.memref_slice %arg5[%add3A_114, %dma_wait3A_210] : memref<64x3072xf32, #tpu.memory_space<vmem_shared>> -> memref<1x3072xf32, #tpu.memory_space<vmem_shared>>
      %dma_wait3A_212 = tpu.memref_squeeze %dma_wait3A_211 : memref<1x3072xf32, #tpu.memory_space<vmem_shared>> -> memref<3072xf32, #tpu.memory_space<vmem_shared>>
      %dma_wait3A_213 = arith.constant 0 : i32
      %dma_wait3A_214 = tpu.memref_slice %dma_wait3A_212[%dma_wait3A_213] : memref<3072xf32, #tpu.memory_space<vmem_shared>> -> memref<3072xf32, #tpu.memory_space<vmem_shared>>
      tpu.wait_indirect_dma semaphore(%arg14 : memref<!tpu.dma_semaphore, #tpu.memory_space<semaphore_mem>>) src(%dma_wait3A_214 : memref<3072xf32, #tpu.memory_space<vmem_shared>>) dst(%dma_wait3A_209 : memref<4096xf32, #tpu.memory_space<vmem>>)
      %dma_wait3A_215 = arith.constant 3 : i32
      %dma_wait3A_216 = arith.constant 0 : i32
      %dma_wait3A_217 = arith.constant 0 : i32
      %dma_wait3A_218 = tpu.memref_slice %arg8[%dma_wait3A_215, %dma_wait3A_216, %dma_wait3A_217] : memref<8x1x4096xf32, #tpu.memory_space<vmem>> -> memref<1x1x4096xf32, #tpu.memory_space<vmem>>
      %dma_wait3A_219 = tpu.memref_squeeze %dma_wait3A_218 : memref<1x1x4096xf32, #tpu.memory_space<vmem>> -> memref<4096xf32, #tpu.memory_space<vmem>>
      %dma_wait3A_220 = arith.constant 0 : i32
      %dma_wait3A_221 = tpu.memref_slice %arg5[%add3A_126, %dma_wait3A_220] : memref<64x3072xf32, #tpu.memory_space<vmem_shared>> -> memref<1x3072xf32, #tpu.memory_space<vmem_shared>>
      %dma_wait3A_222 = tpu.memref_squeeze %dma_wait3A_221 : memref<1x3072xf32, #tpu.memory_space<vmem_shared>> -> memref<3072xf32, #tpu.memory_space<vmem_shared>>
      %dma_wait3A_223 = arith.constant 0 : i32
      %dma_wait3A_224 = tpu.memref_slice %dma_wait3A_222[%dma_wait3A_223] : memref<3072xf32, #tpu.memory_space<vmem_shared>> -> memref<3072xf32, #tpu.memory_space<vmem_shared>>
      tpu.wait_indirect_dma semaphore(%arg14 : memref<!tpu.dma_semaphore, #tpu.memory_space<semaphore_mem>>) src(%dma_wait3A_224 : memref<3072xf32, #tpu.memory_space<vmem_shared>>) dst(%dma_wait3A_219 : memref<4096xf32, #tpu.memory_space<vmem>>)
      %dma_wait3A_225 = arith.constant 4 : i32
      %dma_wait3A_226 = arith.constant 0 : i32
      %dma_wait3A_227 = arith.constant 0 : i32
      %dma_wait3A_228 = tpu.memref_slice %arg8[%dma_wait3A_225, %dma_wait3A_226, %dma_wait3A_227] : memref<8x1x4096xf32, #tpu.memory_space<vmem>> -> memref<1x1x4096xf32, #tpu.memory_space<vmem>>
      %dma_wait3A_229 = tpu.memref_squeeze %dma_wait3A_228 : memref<1x1x4096xf32, #tpu.memory_space<vmem>> -> memref<4096xf32, #tpu.memory_space<vmem>>
      %dma_wait3A_230 = arith.constant 0 : i32
      %dma_wait3A_231 = tpu.memref_slice %arg5[%add3A_138, %dma_wait3A_230] : memref<64x3072xf32, #tpu.memory_space<vmem_shared>> -> memref<1x3072xf32, #tpu.memory_space<vmem_shared>>
      %dma_wait3A_232 = tpu.memref_squeeze %dma_wait3A_231 : memref<1x3072xf32, #tpu.memory_space<vmem_shared>> -> memref<3072xf32, #tpu.memory_space<vmem_shared>>
      %dma_wait3A_233 = arith.constant 0 : i32
      %dma_wait3A_234 = tpu.memref_slice %dma_wait3A_232[%dma_wait3A_233] : memref<3072xf32, #tpu.memory_space<vmem_shared>> -> memref<3072xf32, #tpu.memory_space<vmem_shared>>
      tpu.wait_indirect_dma semaphore(%arg14 : memref<!tpu.dma_semaphore, #tpu.memory_space<semaphore_mem>>) src(%dma_wait3A_234 : memref<3072xf32, #tpu.memory_space<vmem_shared>>) dst(%dma_wait3A_229 : memref<4096xf32, #tpu.memory_space<vmem>>)
      %dma_wait3A_235 = arith.constant 5 : i32
      %dma_wait3A_236 = arith.constant 0 : i32
      %dma_wait3A_237 = arith.constant 0 : i32
      %dma_wait3A_238 = tpu.memref_slice %arg8[%dma_wait3A_235, %dma_wait3A_236, %dma_wait3A_237] : memref<8x1x4096xf32, #tpu.memory_space<vmem>> -> memref<1x1x4096xf32, #tpu.memory_space<vmem>>
      %dma_wait3A_239 = tpu.memref_squeeze %dma_wait3A_238 : memref<1x1x4096xf32, #tpu.memory_space<vmem>> -> memref<4096xf32, #tpu.memory_space<vmem>>
      %dma_wait3A_240 = arith.constant 0 : i32
      %dma_wait3A_241 = tpu.memref_slice %arg5[%add3A_150, %dma_wait3A_240] : memref<64x3072xf32, #tpu.memory_space<vmem_shared>> -> memref<1x3072xf32, #tpu.memory_space<vmem_shared>>
      %dma_wait3A_242 = tpu.memref_squeeze %dma_wait3A_241 : memref<1x3072xf32, #tpu.memory_space<vmem_shared>> -> memref<3072xf32, #tpu.memory_space<vmem_shared>>
      %dma_wait3A_243 = arith.constant 0 : i32
      %dma_wait3A_244 = tpu.memref_slice %dma_wait3A_242[%dma_wait3A_243] : memref<3072xf32, #tpu.memory_space<vmem_shared>> -> memref<3072xf32, #tpu.memory_space<vmem_shared>>
      tpu.wait_indirect_dma semaphore(%arg14 : memref<!tpu.dma_semaphore, #tpu.memory_space<semaphore_mem>>) src(%dma_wait3A_244 : memref<3072xf32, #tpu.memory_space<vmem_shared>>) dst(%dma_wait3A_239 : memref<4096xf32, #tpu.memory_space<vmem>>)
      %dma_wait3A_245 = arith.constant 6 : i32
      %dma_wait3A_246 = arith.constant 0 : i32
      %dma_wait3A_247 = arith.constant 0 : i32
      %dma_wait3A_248 = tpu.memref_slice %arg8[%dma_wait3A_245, %dma_wait3A_246, %dma_wait3A_247] : memref<8x1x4096xf32, #tpu.memory_space<vmem>> -> memref<1x1x4096xf32, #tpu.memory_space<vmem>>
      %dma_wait3A_249 = tpu.memref_squeeze %dma_wait3A_248 : memref<1x1x4096xf32, #tpu.memory_space<vmem>> -> memref<4096xf32, #tpu.memory_space<vmem>>
      %dma_wait3A_250 = arith.constant 0 : i32
      %dma_wait3A_251 = tpu.memref_slice %arg5[%add3A_162, %dma_wait3A_250] : memref<64x3072xf32, #tpu.memory_space<vmem_shared>> -> memref<1x3072xf32, #tpu.memory_space<vmem_shared>>
      %dma_wait3A_252 = tpu.memref_squeeze %dma_wait3A_251 : memref<1x3072xf32, #tpu.memory_space<vmem_shared>> -> memref<3072xf32, #tpu.memory_space<vmem_shared>>
      %dma_wait3A_253 = arith.constant 0 : i32
      %dma_wait3A_254 = tpu.memref_slice %dma_wait3A_252[%dma_wait3A_253] : memref<3072xf32, #tpu.memory_space<vmem_shared>> -> memref<3072xf32, #tpu.memory_space<vmem_shared>>
      tpu.wait_indirect_dma semaphore(%arg14 : memref<!tpu.dma_semaphore, #tpu.memory_space<semaphore_mem>>) src(%dma_wait3A_254 : memref<3072xf32, #tpu.memory_space<vmem_shared>>) dst(%dma_wait3A_249 : memref<4096xf32, #tpu.memory_space<vmem>>)
      %dma_wait3A_255 = arith.constant 7 : i32
      %dma_wait3A_256 = arith.constant 0 : i32
      %dma_wait3A_257 = arith.constant 0 : i32
      %dma_wait3A_258 = tpu.memref_slice %arg8[%dma_wait3A_255, %dma_wait3A_256, %dma_wait3A_257] : memref<8x1x4096xf32, #tpu.memory_space<vmem>> -> memref<1x1x4096xf32, #tpu.memory_space<vmem>>
      %dma_wait3A_259 = tpu.memref_squeeze %dma_wait3A_258 : memref<1x1x4096xf32, #tpu.memory_space<vmem>> -> memref<4096xf32, #tpu.memory_space<vmem>>
      %dma_wait3A_260 = arith.constant 0 : i32
      %dma_wait3A_261 = tpu.memref_slice %arg5[%add3A_174, %dma_wait3A_260] : memref<64x3072xf32, #tpu.memory_space<vmem_shared>> -> memref<1x3072xf32, #tpu.memory_space<vmem_shared>>
      %dma_wait3A_262 = tpu.memref_squeeze %dma_wait3A_261 : memref<1x3072xf32, #tpu.memory_space<vmem_shared>> -> memref<3072xf32, #tpu.memory_space<vmem_shared>>
      %dma_wait3A_263 = arith.constant 0 : i32
      %dma_wait3A_264 = tpu.memref_slice %dma_wait3A_262[%dma_wait3A_263] : memref<3072xf32, #tpu.memory_space<vmem_shared>> -> memref<3072xf32, #tpu.memory_space<vmem_shared>>
      tpu.wait_indirect_dma semaphore(%arg14 : memref<!tpu.dma_semaphore, #tpu.memory_space<semaphore_mem>>) src(%dma_wait3A_264 : memref<3072xf32, #tpu.memory_space<vmem_shared>>) dst(%dma_wait3A_259 : memref<4096xf32, #tpu.memory_space<vmem>>)
      %dma_start3A_265 = arith.constant 0 : i32
      %dma_start3A_266 = arith.constant 0 : i32
      %dma_start3A_267 = tpu.memref_slice %arg4[%add3A_74, %mul3A_11, %dma_start3A_265, %dma_start3A_266] : memref<200x64x1x4096xf32, #tpu.memory_space<hbm>> -> memref<1x8x1x4096xf32, #tpu.memory_space<hbm>>
      %dma_start3A_268 = tpu.memref_squeeze %dma_start3A_267 : memref<1x8x1x4096xf32, #tpu.memory_space<hbm>> -> memref<8x1x4096xf32, #tpu.memory_space<hbm>>
      %dma_start3A_269 = arith.constant 0 : i32
      %dma_start3A_270 = arith.constant 0 : i32
      %dma_start3A_271 = tpu.memref_slice %arg4[%add3A_74, %mul3A_11, %dma_start3A_269, %dma_start3A_270] : memref<200x64x1x4096xf32, #tpu.memory_space<hbm>> -> memref<1x8x1x4096xf32, #tpu.memory_space<hbm>>
      %dma_start3A_272 = tpu.memref_squeeze %dma_start3A_271 : memref<1x8x1x4096xf32, #tpu.memory_space<hbm>> -> memref<8x1x4096xf32, #tpu.memory_space<hbm>>
      tpu.enqueue_dma source(%arg8 : memref<8x1x4096xf32, #tpu.memory_space<vmem>>) target(%dma_start3A_272 : memref<8x1x4096xf32, #tpu.memory_space<hbm>>) target_semaphore(%arg12 : memref<!tpu.dma_semaphore, #tpu.memory_space<semaphore_mem>>)
      %mul3A_273 = arith.constant 2 : i32
      %mul3A_274 = arith.muli %mul3A_273, %scan3A_69 : i32
      %add3A_275 = arith.constant 1 : i32
      %add3A_276 = arith.addi %mul3A_274, %add3A_275 : i32
      %add3A_277 = arith.addi %mul3A_34, %add3A_276 : i32
      %mul3A_278 = arith.constant 4096 : i32
      %mul3A_279 = arith.muli %add3A_277, %mul3A_278 : i32
      %dma_wait3A_280 = tpu.memref_slice %arg2[%mul3A_279] : memref<819200xi32, #tpu.memory_space<hbm>> -> memref<4096xi32, #tpu.memory_space<hbm>>
      %dma_wait3A_281 = tpu.memref_slice %arg2[%mul3A_279] : memref<819200xi32, #tpu.memory_space<hbm>> -> memref<4096xi32, #tpu.memory_space<hbm>>
      tpu.wait_dma2 semaphore(%arg11 : memref<!tpu.dma_semaphore, #tpu.memory_space<semaphore_mem>>) src(%dma_wait3A_281 : memref<4096xi32, #tpu.memory_space<hbm>>) dst(%arg7 : memref<4096xi32, #tpu.memory_space<vmem>>)
      %lt3A_282 = arith.constant 24 : i32
      %lt3A_283 = arith.cmpi slt, %scan3A_69, %lt3A_282 : i32
      %convert_element_type3A_284 = arith.extui %lt3A_283 : i1 to i32
      %cond3A_285 = arith.constant 0 : i32
      %cond3A_286 = arith.cmpi ne, %convert_element_type3A_284, %cond3A_285 : i32
      scf.if %cond3A_286 {
        %add3A_476 = arith.constant 1 : i32
        %add3A_477 = arith.addi %add3A_277, %add3A_476 : i32
        %mul3A_478 = arith.constant 4096 : i32
        %mul3A_479 = arith.muli %add3A_477, %mul3A_478 : i32
        %dma_start3A_480 = tpu.memref_slice %arg2[%mul3A_479] : memref<819200xi32, #tpu.memory_space<hbm>> -> memref<4096xi32, #tpu.memory_space<hbm>>
        %dma_start3A_481 = tpu.memref_slice %arg2[%mul3A_479] : memref<819200xi32, #tpu.memory_space<hbm>> -> memref<4096xi32, #tpu.memory_space<hbm>>
        tpu.enqueue_dma source(%dma_start3A_481 : memref<4096xi32, #tpu.memory_space<hbm>>) target(%arg6 : memref<4096xi32, #tpu.memory_space<vmem>>) target_semaphore(%arg10 : memref<!tpu.dma_semaphore, #tpu.memory_space<semaphore_mem>>)
      } else {
      }
      %ge3A_287 = arith.constant 1 : i32
      %ge3A_288 = arith.cmpi sge, %scan3A_69, %ge3A_287 : i32
      %convert_element_type3A_289 = arith.extui %ge3A_288 : i1 to i32
      %cond3A_290 = arith.constant 0 : i32
      %cond3A_291 = arith.cmpi ne, %convert_element_type3A_289, %cond3A_290 : i32
      scf.if %cond3A_291 {
        %sub3A_476 = arith.constant 2 : i32
        %sub3A_477 = arith.subi %add3A_277, %sub3A_476 : i32
        %dma_wait3A_478 = arith.constant 0 : i32
        %dma_wait3A_479 = arith.constant 0 : i32
        %dma_wait3A_480 = tpu.memref_slice %arg4[%sub3A_477, %mul3A_11, %dma_wait3A_478, %dma_wait3A_479] : memref<200x64x1x4096xf32, #tpu.memory_space<hbm>> -> memref<1x8x1x4096xf32, #tpu.memory_space<hbm>>
        %dma_wait3A_481 = tpu.memref_squeeze %dma_wait3A_480 : memref<1x8x1x4096xf32, #tpu.memory_space<hbm>> -> memref<8x1x4096xf32, #tpu.memory_space<hbm>>
        %dma_wait3A_482 = arith.constant 0 : i32
        %dma_wait3A_483 = arith.constant 0 : i32
        %dma_wait3A_484 = tpu.memref_slice %arg4[%sub3A_477, %mul3A_11, %dma_wait3A_482, %dma_wait3A_483] : memref<200x64x1x4096xf32, #tpu.memory_space<hbm>> -> memref<1x8x1x4096xf32, #tpu.memory_space<hbm>>
        %dma_wait3A_485 = tpu.memref_squeeze %dma_wait3A_484 : memref<1x8x1x4096xf32, #tpu.memory_space<hbm>> -> memref<8x1x4096xf32, #tpu.memory_space<hbm>>
        tpu.wait_dma2 semaphore(%arg13 : memref<!tpu.dma_semaphore, #tpu.memory_space<semaphore_mem>>) src(%arg9 : memref<8x1x4096xf32, #tpu.memory_space<vmem>>) dst(%dma_wait3A_485 : memref<8x1x4096xf32, #tpu.memory_space<hbm>>)
      } else {
      }
      %add3A_292 = arith.constant 0 : i32
      %add3A_293 = arith.addi %mul3A_11, %add3A_292 : i32
      %dma_start3A_294 = arith.constant 0 : i32
      %dma_start3A_295 = arith.constant 0 : i32
      %dma_start3A_296 = arith.constant 0 : i32
      %dma_start3A_297 = tpu.memref_slice %arg9[%dma_start3A_294, %dma_start3A_295, %dma_start3A_296] : memref<8x1x4096xf32, #tpu.memory_space<vmem>> -> memref<1x1x4096xf32, #tpu.memory_space<vmem>>
      %dma_start3A_298 = tpu.memref_squeeze %dma_start3A_297 : memref<1x1x4096xf32, #tpu.memory_space<vmem>> -> memref<4096xf32, #tpu.memory_space<vmem>>
      %dma_start3A_299 = arith.constant 0 : i32
      %dma_start3A_300 = tpu.memref_slice %arg5[%add3A_293, %dma_start3A_299] : memref<64x3072xf32, #tpu.memory_space<vmem_shared>> -> memref<1x3072xf32, #tpu.memory_space<vmem_shared>>
      %dma_start3A_301 = tpu.memref_squeeze %dma_start3A_300 : memref<1x3072xf32, #tpu.memory_space<vmem_shared>> -> memref<3072xf32, #tpu.memory_space<vmem_shared>>
      %dma_start3A_302 = arith.constant 0 : i32
      %dma_start3A_303 = tpu.memref_slice %dma_start3A_301[%dma_start3A_302] : memref<3072xf32, #tpu.memory_space<vmem_shared>> -> memref<3072xf32, #tpu.memory_space<vmem_shared>>
      tpu.enqueue_indirect_dma source(%dma_start3A_303 : memref<3072xf32, #tpu.memory_space<vmem_shared>>) target(%dma_start3A_298 : memref<4096xf32, #tpu.memory_space<vmem>>) offsets(%arg7 : memref<4096xi32, #tpu.memory_space<vmem>>) semaphore(%arg14 : memref<!tpu.dma_semaphore, #tpu.memory_space<semaphore_mem>>)
      %add3A_304 = arith.constant 1 : i32
      %add3A_305 = arith.addi %mul3A_11, %add3A_304 : i32
      %dma_start3A_306 = arith.constant 1 : i32
      %dma_start3A_307 = arith.constant 0 : i32
      %dma_start3A_308 = arith.constant 0 : i32
      %dma_start3A_309 = tpu.memref_slice %arg9[%dma_start3A_306, %dma_start3A_307, %dma_start3A_308] : memref<8x1x4096xf32, #tpu.memory_space<vmem>> -> memref<1x1x4096xf32, #tpu.memory_space<vmem>>
      %dma_start3A_310 = tpu.memref_squeeze %dma_start3A_309 : memref<1x1x4096xf32, #tpu.memory_space<vmem>> -> memref<4096xf32, #tpu.memory_space<vmem>>
      %dma_start3A_311 = arith.constant 0 : i32
      %dma_start3A_312 = tpu.memref_slice %arg5[%add3A_305, %dma_start3A_311] : memref<64x3072xf32, #tpu.memory_space<vmem_shared>> -> memref<1x3072xf32, #tpu.memory_space<vmem_shared>>
      %dma_start3A_313 = tpu.memref_squeeze %dma_start3A_312 : memref<1x3072xf32, #tpu.memory_space<vmem_shared>> -> memref<3072xf32, #tpu.memory_space<vmem_shared>>
      %dma_start3A_314 = arith.constant 0 : i32
      %dma_start3A_315 = tpu.memref_slice %dma_start3A_313[%dma_start3A_314] : memref<3072xf32, #tpu.memory_space<vmem_shared>> -> memref<3072xf32, #tpu.memory_space<vmem_shared>>
      tpu.enqueue_indirect_dma source(%dma_start3A_315 : memref<3072xf32, #tpu.memory_space<vmem_shared>>) target(%dma_start3A_310 : memref<4096xf32, #tpu.memory_space<vmem>>) offsets(%arg7 : memref<4096xi32, #tpu.memory_space<vmem>>) semaphore(%arg14 : memref<!tpu.dma_semaphore, #tpu.memory_space<semaphore_mem>>)
      %add3A_316 = arith.constant 2 : i32
      %add3A_317 = arith.addi %mul3A_11, %add3A_316 : i32
      %dma_start3A_318 = arith.constant 2 : i32
      %dma_start3A_319 = arith.constant 0 : i32
      %dma_start3A_320 = arith.constant 0 : i32
      %dma_start3A_321 = tpu.memref_slice %arg9[%dma_start3A_318, %dma_start3A_319, %dma_start3A_320] : memref<8x1x4096xf32, #tpu.memory_space<vmem>> -> memref<1x1x4096xf32, #tpu.memory_space<vmem>>
      %dma_start3A_322 = tpu.memref_squeeze %dma_start3A_321 : memref<1x1x4096xf32, #tpu.memory_space<vmem>> -> memref<4096xf32, #tpu.memory_space<vmem>>
      %dma_start3A_323 = arith.constant 0 : i32
      %dma_start3A_324 = tpu.memref_slice %arg5[%add3A_317, %dma_start3A_323] : memref<64x3072xf32, #tpu.memory_space<vmem_shared>> -> memref<1x3072xf32, #tpu.memory_space<vmem_shared>>
      %dma_start3A_325 = tpu.memref_squeeze %dma_start3A_324 : memref<1x3072xf32, #tpu.memory_space<vmem_shared>> -> memref<3072xf32, #tpu.memory_space<vmem_shared>>
      %dma_start3A_326 = arith.constant 0 : i32
      %dma_start3A_327 = tpu.memref_slice %dma_start3A_325[%dma_start3A_326] : memref<3072xf32, #tpu.memory_space<vmem_shared>> -> memref<3072xf32, #tpu.memory_space<vmem_shared>>
      tpu.enqueue_indirect_dma source(%dma_start3A_327 : memref<3072xf32, #tpu.memory_space<vmem_shared>>) target(%dma_start3A_322 : memref<4096xf32, #tpu.memory_space<vmem>>) offsets(%arg7 : memref<4096xi32, #tpu.memory_space<vmem>>) semaphore(%arg14 : memref<!tpu.dma_semaphore, #tpu.memory_space<semaphore_mem>>)
      %add3A_328 = arith.constant 3 : i32
      %add3A_329 = arith.addi %mul3A_11, %add3A_328 : i32
      %dma_start3A_330 = arith.constant 3 : i32
      %dma_start3A_331 = arith.constant 0 : i32
      %dma_start3A_332 = arith.constant 0 : i32
      %dma_start3A_333 = tpu.memref_slice %arg9[%dma_start3A_330, %dma_start3A_331, %dma_start3A_332] : memref<8x1x4096xf32, #tpu.memory_space<vmem>> -> memref<1x1x4096xf32, #tpu.memory_space<vmem>>
      %dma_start3A_334 = tpu.memref_squeeze %dma_start3A_333 : memref<1x1x4096xf32, #tpu.memory_space<vmem>> -> memref<4096xf32, #tpu.memory_space<vmem>>
      %dma_start3A_335 = arith.constant 0 : i32
      %dma_start3A_336 = tpu.memref_slice %arg5[%add3A_329, %dma_start3A_335] : memref<64x3072xf32, #tpu.memory_space<vmem_shared>> -> memref<1x3072xf32, #tpu.memory_space<vmem_shared>>
      %dma_start3A_337 = tpu.memref_squeeze %dma_start3A_336 : memref<1x3072xf32, #tpu.memory_space<vmem_shared>> -> memref<3072xf32, #tpu.memory_space<vmem_shared>>
      %dma_start3A_338 = arith.constant 0 : i32
      %dma_start3A_339 = tpu.memref_slice %dma_start3A_337[%dma_start3A_338] : memref<3072xf32, #tpu.memory_space<vmem_shared>> -> memref<3072xf32, #tpu.memory_space<vmem_shared>>
      tpu.enqueue_indirect_dma source(%dma_start3A_339 : memref<3072xf32, #tpu.memory_space<vmem_shared>>) target(%dma_start3A_334 : memref<4096xf32, #tpu.memory_space<vmem>>) offsets(%arg7 : memref<4096xi32, #tpu.memory_space<vmem>>) semaphore(%arg14 : memref<!tpu.dma_semaphore, #tpu.memory_space<semaphore_mem>>)
      %add3A_340 = arith.constant 4 : i32
      %add3A_341 = arith.addi %mul3A_11, %add3A_340 : i32
      %dma_start3A_342 = arith.constant 4 : i32
      %dma_start3A_343 = arith.constant 0 : i32
      %dma_start3A_344 = arith.constant 0 : i32
      %dma_start3A_345 = tpu.memref_slice %arg9[%dma_start3A_342, %dma_start3A_343, %dma_start3A_344] : memref<8x1x4096xf32, #tpu.memory_space<vmem>> -> memref<1x1x4096xf32, #tpu.memory_space<vmem>>
      %dma_start3A_346 = tpu.memref_squeeze %dma_start3A_345 : memref<1x1x4096xf32, #tpu.memory_space<vmem>> -> memref<4096xf32, #tpu.memory_space<vmem>>
      %dma_start3A_347 = arith.constant 0 : i32
      %dma_start3A_348 = tpu.memref_slice %arg5[%add3A_341, %dma_start3A_347] : memref<64x3072xf32, #tpu.memory_space<vmem_shared>> -> memref<1x3072xf32, #tpu.memory_space<vmem_shared>>
      %dma_start3A_349 = tpu.memref_squeeze %dma_start3A_348 : memref<1x3072xf32, #tpu.memory_space<vmem_shared>> -> memref<3072xf32, #tpu.memory_space<vmem_shared>>
      %dma_start3A_350 = arith.constant 0 : i32
      %dma_start3A_351 = tpu.memref_slice %dma_start3A_349[%dma_start3A_350] : memref<3072xf32, #tpu.memory_space<vmem_shared>> -> memref<3072xf32, #tpu.memory_space<vmem_shared>>
      tpu.enqueue_indirect_dma source(%dma_start3A_351 : memref<3072xf32, #tpu.memory_space<vmem_shared>>) target(%dma_start3A_346 : memref<4096xf32, #tpu.memory_space<vmem>>) offsets(%arg7 : memref<4096xi32, #tpu.memory_space<vmem>>) semaphore(%arg14 : memref<!tpu.dma_semaphore, #tpu.memory_space<semaphore_mem>>)
      %add3A_352 = arith.constant 5 : i32
      %add3A_353 = arith.addi %mul3A_11, %add3A_352 : i32
      %dma_start3A_354 = arith.constant 5 : i32
      %dma_start3A_355 = arith.constant 0 : i32
      %dma_start3A_356 = arith.constant 0 : i32
      %dma_start3A_357 = tpu.memref_slice %arg9[%dma_start3A_354, %dma_start3A_355, %dma_start3A_356] : memref<8x1x4096xf32, #tpu.memory_space<vmem>> -> memref<1x1x4096xf32, #tpu.memory_space<vmem>>
      %dma_start3A_358 = tpu.memref_squeeze %dma_start3A_357 : memref<1x1x4096xf32, #tpu.memory_space<vmem>> -> memref<4096xf32, #tpu.memory_space<vmem>>
      %dma_start3A_359 = arith.constant 0 : i32
      %dma_start3A_360 = tpu.memref_slice %arg5[%add3A_353, %dma_start3A_359] : memref<64x3072xf32, #tpu.memory_space<vmem_shared>> -> memref<1x3072xf32, #tpu.memory_space<vmem_shared>>
      %dma_start3A_361 = tpu.memref_squeeze %dma_start3A_360 : memref<1x3072xf32, #tpu.memory_space<vmem_shared>> -> memref<3072xf32, #tpu.memory_space<vmem_shared>>
      %dma_start3A_362 = arith.constant 0 : i32
      %dma_start3A_363 = tpu.memref_slice %dma_start3A_361[%dma_start3A_362] : memref<3072xf32, #tpu.memory_space<vmem_shared>> -> memref<3072xf32, #tpu.memory_space<vmem_shared>>
      tpu.enqueue_indirect_dma source(%dma_start3A_363 : memref<3072xf32, #tpu.memory_space<vmem_shared>>) target(%dma_start3A_358 : memref<4096xf32, #tpu.memory_space<vmem>>) offsets(%arg7 : memref<4096xi32, #tpu.memory_space<vmem>>) semaphore(%arg14 : memref<!tpu.dma_semaphore, #tpu.memory_space<semaphore_mem>>)
      %add3A_364 = arith.constant 6 : i32
      %add3A_365 = arith.addi %mul3A_11, %add3A_364 : i32
      %dma_start3A_366 = arith.constant 6 : i32
      %dma_start3A_367 = arith.constant 0 : i32
      %dma_start3A_368 = arith.constant 0 : i32
      %dma_start3A_369 = tpu.memref_slice %arg9[%dma_start3A_366, %dma_start3A_367, %dma_start3A_368] : memref<8x1x4096xf32, #tpu.memory_space<vmem>> -> memref<1x1x4096xf32, #tpu.memory_space<vmem>>
      %dma_start3A_370 = tpu.memref_squeeze %dma_start3A_369 : memref<1x1x4096xf32, #tpu.memory_space<vmem>> -> memref<4096xf32, #tpu.memory_space<vmem>>
      %dma_start3A_371 = arith.constant 0 : i32
      %dma_start3A_372 = tpu.memref_slice %arg5[%add3A_365, %dma_start3A_371] : memref<64x3072xf32, #tpu.memory_space<vmem_shared>> -> memref<1x3072xf32, #tpu.memory_space<vmem_shared>>
      %dma_start3A_373 = tpu.memref_squeeze %dma_start3A_372 : memref<1x3072xf32, #tpu.memory_space<vmem_shared>> -> memref<3072xf32, #tpu.memory_space<vmem_shared>>
      %dma_start3A_374 = arith.constant 0 : i32
      %dma_start3A_375 = tpu.memref_slice %dma_start3A_373[%dma_start3A_374] : memref<3072xf32, #tpu.memory_space<vmem_shared>> -> memref<3072xf32, #tpu.memory_space<vmem_shared>>
      tpu.enqueue_indirect_dma source(%dma_start3A_375 : memref<3072xf32, #tpu.memory_space<vmem_shared>>) target(%dma_start3A_370 : memref<4096xf32, #tpu.memory_space<vmem>>) offsets(%arg7 : memref<4096xi32, #tpu.memory_space<vmem>>) semaphore(%arg14 : memref<!tpu.dma_semaphore, #tpu.memory_space<semaphore_mem>>)
      %add3A_376 = arith.constant 7 : i32
      %add3A_377 = arith.addi %mul3A_11, %add3A_376 : i32
      %dma_start3A_378 = arith.constant 7 : i32
      %dma_start3A_379 = arith.constant 0 : i32
      %dma_start3A_380 = arith.constant 0 : i32
      %dma_start3A_381 = tpu.memref_slice %arg9[%dma_start3A_378, %dma_start3A_379, %dma_start3A_380] : memref<8x1x4096xf32, #tpu.memory_space<vmem>> -> memref<1x1x4096xf32, #tpu.memory_space<vmem>>
      %dma_start3A_382 = tpu.memref_squeeze %dma_start3A_381 : memref<1x1x4096xf32, #tpu.memory_space<vmem>> -> memref<4096xf32, #tpu.memory_space<vmem>>
      %dma_start3A_383 = arith.constant 0 : i32
      %dma_start3A_384 = tpu.memref_slice %arg5[%add3A_377, %dma_start3A_383] : memref<64x3072xf32, #tpu.memory_space<vmem_shared>> -> memref<1x3072xf32, #tpu.memory_space<vmem_shared>>
      %dma_start3A_385 = tpu.memref_squeeze %dma_start3A_384 : memref<1x3072xf32, #tpu.memory_space<vmem_shared>> -> memref<3072xf32, #tpu.memory_space<vmem_shared>>
      %dma_start3A_386 = arith.constant 0 : i32
      %dma_start3A_387 = tpu.memref_slice %dma_start3A_385[%dma_start3A_386] : memref<3072xf32, #tpu.memory_space<vmem_shared>> -> memref<3072xf32, #tpu.memory_space<vmem_shared>>
      tpu.enqueue_indirect_dma source(%dma_start3A_387 : memref<3072xf32, #tpu.memory_space<vmem_shared>>) target(%dma_start3A_382 : memref<4096xf32, #tpu.memory_space<vmem>>) offsets(%arg7 : memref<4096xi32, #tpu.memory_space<vmem>>) semaphore(%arg14 : memref<!tpu.dma_semaphore, #tpu.memory_space<semaphore_mem>>)
      %dma_wait3A_388 = arith.constant 0 : i32
      %dma_wait3A_389 = arith.constant 0 : i32
      %dma_wait3A_390 = arith.constant 0 : i32
      %dma_wait3A_391 = tpu.memref_slice %arg9[%dma_wait3A_388, %dma_wait3A_389, %dma_wait3A_390] : memref<8x1x4096xf32, #tpu.memory_space<vmem>> -> memref<1x1x4096xf32, #tpu.memory_space<vmem>>
      %dma_wait3A_392 = tpu.memref_squeeze %dma_wait3A_391 : memref<1x1x4096xf32, #tpu.memory_space<vmem>> -> memref<4096xf32, #tpu.memory_space<vmem>>
      %dma_wait3A_393 = arith.constant 0 : i32
      %dma_wait3A_394 = tpu.memref_slice %arg5[%add3A_293, %dma_wait3A_393] : memref<64x3072xf32, #tpu.memory_space<vmem_shared>> -> memref<1x3072xf32, #tpu.memory_space<vmem_shared>>
      %dma_wait3A_395 = tpu.memref_squeeze %dma_wait3A_394 : memref<1x3072xf32, #tpu.memory_space<vmem_shared>> -> memref<3072xf32, #tpu.memory_space<vmem_shared>>
      %dma_wait3A_396 = arith.constant 0 : i32
      %dma_wait3A_397 = tpu.memref_slice %dma_wait3A_395[%dma_wait3A_396] : memref<3072xf32, #tpu.memory_space<vmem_shared>> -> memref<3072xf32, #tpu.memory_space<vmem_shared>>
      tpu.wait_indirect_dma semaphore(%arg14 : memref<!tpu.dma_semaphore, #tpu.memory_space<semaphore_mem>>) src(%dma_wait3A_397 : memref<3072xf32, #tpu.memory_space<vmem_shared>>) dst(%dma_wait3A_392 : memref<4096xf32, #tpu.memory_space<vmem>>)
      %dma_wait3A_398 = arith.constant 1 : i32
      %dma_wait3A_399 = arith.constant 0 : i32
      %dma_wait3A_400 = arith.constant 0 : i32
      %dma_wait3A_401 = tpu.memref_slice %arg9[%dma_wait3A_398, %dma_wait3A_399, %dma_wait3A_400] : memref<8x1x4096xf32, #tpu.memory_space<vmem>> -> memref<1x1x4096xf32, #tpu.memory_space<vmem>>
      %dma_wait3A_402 = tpu.memref_squeeze %dma_wait3A_401 : memref<1x1x4096xf32, #tpu.memory_space<vmem>> -> memref<4096xf32, #tpu.memory_space<vmem>>
      %dma_wait3A_403 = arith.constant 0 : i32
      %dma_wait3A_404 = tpu.memref_slice %arg5[%add3A_305, %dma_wait3A_403] : memref<64x3072xf32, #tpu.memory_space<vmem_shared>> -> memref<1x3072xf32, #tpu.memory_space<vmem_shared>>
      %dma_wait3A_405 = tpu.memref_squeeze %dma_wait3A_404 : memref<1x3072xf32, #tpu.memory_space<vmem_shared>> -> memref<3072xf32, #tpu.memory_space<vmem_shared>>
      %dma_wait3A_406 = arith.constant 0 : i32
      %dma_wait3A_407 = tpu.memref_slice %dma_wait3A_405[%dma_wait3A_406] : memref<3072xf32, #tpu.memory_space<vmem_shared>> -> memref<3072xf32, #tpu.memory_space<vmem_shared>>
      tpu.wait_indirect_dma semaphore(%arg14 : memref<!tpu.dma_semaphore, #tpu.memory_space<semaphore_mem>>) src(%dma_wait3A_407 : memref<3072xf32, #tpu.memory_space<vmem_shared>>) dst(%dma_wait3A_402 : memref<4096xf32, #tpu.memory_space<vmem>>)
      %dma_wait3A_408 = arith.constant 2 : i32
      %dma_wait3A_409 = arith.constant 0 : i32
      %dma_wait3A_410 = arith.constant 0 : i32
      %dma_wait3A_411 = tpu.memref_slice %arg9[%dma_wait3A_408, %dma_wait3A_409, %dma_wait3A_410] : memref<8x1x4096xf32, #tpu.memory_space<vmem>> -> memref<1x1x4096xf32, #tpu.memory_space<vmem>>
      %dma_wait3A_412 = tpu.memref_squeeze %dma_wait3A_411 : memref<1x1x4096xf32, #tpu.memory_space<vmem>> -> memref<4096xf32, #tpu.memory_space<vmem>>
      %dma_wait3A_413 = arith.constant 0 : i32
      %dma_wait3A_414 = tpu.memref_slice %arg5[%add3A_317, %dma_wait3A_413] : memref<64x3072xf32, #tpu.memory_space<vmem_shared>> -> memref<1x3072xf32, #tpu.memory_space<vmem_shared>>
      %dma_wait3A_415 = tpu.memref_squeeze %dma_wait3A_414 : memref<1x3072xf32, #tpu.memory_space<vmem_shared>> -> memref<3072xf32, #tpu.memory_space<vmem_shared>>
      %dma_wait3A_416 = arith.constant 0 : i32
      %dma_wait3A_417 = tpu.memref_slice %dma_wait3A_415[%dma_wait3A_416] : memref<3072xf32, #tpu.memory_space<vmem_shared>> -> memref<3072xf32, #tpu.memory_space<vmem_shared>>
      tpu.wait_indirect_dma semaphore(%arg14 : memref<!tpu.dma_semaphore, #tpu.memory_space<semaphore_mem>>) src(%dma_wait3A_417 : memref<3072xf32, #tpu.memory_space<vmem_shared>>) dst(%dma_wait3A_412 : memref<4096xf32, #tpu.memory_space<vmem>>)
      %dma_wait3A_418 = arith.constant 3 : i32
      %dma_wait3A_419 = arith.constant 0 : i32
      %dma_wait3A_420 = arith.constant 0 : i32
      %dma_wait3A_421 = tpu.memref_slice %arg9[%dma_wait3A_418, %dma_wait3A_419, %dma_wait3A_420] : memref<8x1x4096xf32, #tpu.memory_space<vmem>> -> memref<1x1x4096xf32, #tpu.memory_space<vmem>>
      %dma_wait3A_422 = tpu.memref_squeeze %dma_wait3A_421 : memref<1x1x4096xf32, #tpu.memory_space<vmem>> -> memref<4096xf32, #tpu.memory_space<vmem>>
      %dma_wait3A_423 = arith.constant 0 : i32
      %dma_wait3A_424 = tpu.memref_slice %arg5[%add3A_329, %dma_wait3A_423] : memref<64x3072xf32, #tpu.memory_space<vmem_shared>> -> memref<1x3072xf32, #tpu.memory_space<vmem_shared>>
      %dma_wait3A_425 = tpu.memref_squeeze %dma_wait3A_424 : memref<1x3072xf32, #tpu.memory_space<vmem_shared>> -> memref<3072xf32, #tpu.memory_space<vmem_shared>>
      %dma_wait3A_426 = arith.constant 0 : i32
      %dma_wait3A_427 = tpu.memref_slice %dma_wait3A_425[%dma_wait3A_426] : memref<3072xf32, #tpu.memory_space<vmem_shared>> -> memref<3072xf32, #tpu.memory_space<vmem_shared>>
      tpu.wait_indirect_dma semaphore(%arg14 : memref<!tpu.dma_semaphore, #tpu.memory_space<semaphore_mem>>) src(%dma_wait3A_427 : memref<3072xf32, #tpu.memory_space<vmem_shared>>) dst(%dma_wait3A_422 : memref<4096xf32, #tpu.memory_space<vmem>>)
      %dma_wait3A_428 = arith.constant 4 : i32
      %dma_wait3A_429 = arith.constant 0 : i32
      %dma_wait3A_430 = arith.constant 0 : i32
      %dma_wait3A_431 = tpu.memref_slice %arg9[%dma_wait3A_428, %dma_wait3A_429, %dma_wait3A_430] : memref<8x1x4096xf32, #tpu.memory_space<vmem>> -> memref<1x1x4096xf32, #tpu.memory_space<vmem>>
      %dma_wait3A_432 = tpu.memref_squeeze %dma_wait3A_431 : memref<1x1x4096xf32, #tpu.memory_space<vmem>> -> memref<4096xf32, #tpu.memory_space<vmem>>
      %dma_wait3A_433 = arith.constant 0 : i32
      %dma_wait3A_434 = tpu.memref_slice %arg5[%add3A_341, %dma_wait3A_433] : memref<64x3072xf32, #tpu.memory_space<vmem_shared>> -> memref<1x3072xf32, #tpu.memory_space<vmem_shared>>
      %dma_wait3A_435 = tpu.memref_squeeze %dma_wait3A_434 : memref<1x3072xf32, #tpu.memory_space<vmem_shared>> -> memref<3072xf32, #tpu.memory_space<vmem_shared>>
      %dma_wait3A_436 = arith.constant 0 : i32
      %dma_wait3A_437 = tpu.memref_slice %dma_wait3A_435[%dma_wait3A_436] : memref<3072xf32, #tpu.memory_space<vmem_shared>> -> memref<3072xf32, #tpu.memory_space<vmem_shared>>
      tpu.wait_indirect_dma semaphore(%arg14 : memref<!tpu.dma_semaphore, #tpu.memory_space<semaphore_mem>>) src(%dma_wait3A_437 : memref<3072xf32, #tpu.memory_space<vmem_shared>>) dst(%dma_wait3A_432 : memref<4096xf32, #tpu.memory_space<vmem>>)
      %dma_wait3A_438 = arith.constant 5 : i32
      %dma_wait3A_439 = arith.constant 0 : i32
      %dma_wait3A_440 = arith.constant 0 : i32
      %dma_wait3A_441 = tpu.memref_slice %arg9[%dma_wait3A_438, %dma_wait3A_439, %dma_wait3A_440] : memref<8x1x4096xf32, #tpu.memory_space<vmem>> -> memref<1x1x4096xf32, #tpu.memory_space<vmem>>
      %dma_wait3A_442 = tpu.memref_squeeze %dma_wait3A_441 : memref<1x1x4096xf32, #tpu.memory_space<vmem>> -> memref<4096xf32, #tpu.memory_space<vmem>>
      %dma_wait3A_443 = arith.constant 0 : i32
      %dma_wait3A_444 = tpu.memref_slice %arg5[%add3A_353, %dma_wait3A_443] : memref<64x3072xf32, #tpu.memory_space<vmem_shared>> -> memref<1x3072xf32, #tpu.memory_space<vmem_shared>>
      %dma_wait3A_445 = tpu.memref_squeeze %dma_wait3A_444 : memref<1x3072xf32, #tpu.memory_space<vmem_shared>> -> memref<3072xf32, #tpu.memory_space<vmem_shared>>
      %dma_wait3A_446 = arith.constant 0 : i32
      %dma_wait3A_447 = tpu.memref_slice %dma_wait3A_445[%dma_wait3A_446] : memref<3072xf32, #tpu.memory_space<vmem_shared>> -> memref<3072xf32, #tpu.memory_space<vmem_shared>>
      tpu.wait_indirect_dma semaphore(%arg14 : memref<!tpu.dma_semaphore, #tpu.memory_space<semaphore_mem>>) src(%dma_wait3A_447 : memref<3072xf32, #tpu.memory_space<vmem_shared>>) dst(%dma_wait3A_442 : memref<4096xf32, #tpu.memory_space<vmem>>)
      %dma_wait3A_448 = arith.constant 6 : i32
      %dma_wait3A_449 = arith.constant 0 : i32
      %dma_wait3A_450 = arith.constant 0 : i32
      %dma_wait3A_451 = tpu.memref_slice %arg9[%dma_wait3A_448, %dma_wait3A_449, %dma_wait3A_450] : memref<8x1x4096xf32, #tpu.memory_space<vmem>> -> memref<1x1x4096xf32, #tpu.memory_space<vmem>>
      %dma_wait3A_452 = tpu.memref_squeeze %dma_wait3A_451 : memref<1x1x4096xf32, #tpu.memory_space<vmem>> -> memref<4096xf32, #tpu.memory_space<vmem>>
      %dma_wait3A_453 = arith.constant 0 : i32
      %dma_wait3A_454 = tpu.memref_slice %arg5[%add3A_365, %dma_wait3A_453] : memref<64x3072xf32, #tpu.memory_space<vmem_shared>> -> memref<1x3072xf32, #tpu.memory_space<vmem_shared>>
      %dma_wait3A_455 = tpu.memref_squeeze %dma_wait3A_454 : memref<1x3072xf32, #tpu.memory_space<vmem_shared>> -> memref<3072xf32, #tpu.memory_space<vmem_shared>>
      %dma_wait3A_456 = arith.constant 0 : i32
      %dma_wait3A_457 = tpu.memref_slice %dma_wait3A_455[%dma_wait3A_456] : memref<3072xf32, #tpu.memory_space<vmem_shared>> -> memref<3072xf32, #tpu.memory_space<vmem_shared>>
      tpu.wait_indirect_dma semaphore(%arg14 : memref<!tpu.dma_semaphore, #tpu.memory_space<semaphore_mem>>) src(%dma_wait3A_457 : memref<3072xf32, #tpu.memory_space<vmem_shared>>) dst(%dma_wait3A_452 : memref<4096xf32, #tpu.memory_space<vmem>>)
      %dma_wait3A_458 = arith.constant 7 : i32
      %dma_wait3A_459 = arith.constant 0 : i32
      %dma_wait3A_460 = arith.constant 0 : i32
      %dma_wait3A_461 = tpu.memref_slice %arg9[%dma_wait3A_458, %dma_wait3A_459, %dma_wait3A_460] : memref<8x1x4096xf32, #tpu.memory_space<vmem>> -> memref<1x1x4096xf32, #tpu.memory_space<vmem>>
      %dma_wait3A_462 = tpu.memref_squeeze %dma_wait3A_461 : memref<1x1x4096xf32, #tpu.memory_space<vmem>> -> memref<4096xf32, #tpu.memory_space<vmem>>
      %dma_wait3A_463 = arith.constant 0 : i32
      %dma_wait3A_464 = tpu.memref_slice %arg5[%add3A_377, %dma_wait3A_463] : memref<64x3072xf32, #tpu.memory_space<vmem_shared>> -> memref<1x3072xf32, #tpu.memory_space<vmem_shared>>
      %dma_wait3A_465 = tpu.memref_squeeze %dma_wait3A_464 : memref<1x3072xf32, #tpu.memory_space<vmem_shared>> -> memref<3072xf32, #tpu.memory_space<vmem_shared>>
      %dma_wait3A_466 = arith.constant 0 : i32
      %dma_wait3A_467 = tpu.memref_slice %dma_wait3A_465[%dma_wait3A_466] : memref<3072xf32, #tpu.memory_space<vmem_shared>> -> memref<3072xf32, #tpu.memory_space<vmem_shared>>
      tpu.wait_indirect_dma semaphore(%arg14 : memref<!tpu.dma_semaphore, #tpu.memory_space<semaphore_mem>>) src(%dma_wait3A_467 : memref<3072xf32, #tpu.memory_space<vmem_shared>>) dst(%dma_wait3A_462 : memref<4096xf32, #tpu.memory_space<vmem>>)
      %dma_start3A_468 = arith.constant 0 : i32
      %dma_start3A_469 = arith.constant 0 : i32
      %dma_start3A_470 = tpu.memref_slice %arg4[%add3A_277, %mul3A_11, %dma_start3A_468, %dma_start3A_469] : memref<200x64x1x4096xf32, #tpu.memory_space<hbm>> -> memref<1x8x1x4096xf32, #tpu.memory_space<hbm>>
      %dma_start3A_471 = tpu.memref_squeeze %dma_start3A_470 : memref<1x8x1x4096xf32, #tpu.memory_space<hbm>> -> memref<8x1x4096xf32, #tpu.memory_space<hbm>>
      %dma_start3A_472 = arith.constant 0 : i32
      %dma_start3A_473 = arith.constant 0 : i32
      %dma_start3A_474 = tpu.memref_slice %arg4[%add3A_277, %mul3A_11, %dma_start3A_472, %dma_start3A_473] : memref<200x64x1x4096xf32, #tpu.memory_space<hbm>> -> memref<1x8x1x4096xf32, #tpu.memory_space<hbm>>
      %dma_start3A_475 = tpu.memref_squeeze %dma_start3A_474 : memref<1x8x1x4096xf32, #tpu.memory_space<hbm>> -> memref<8x1x4096xf32, #tpu.memory_space<hbm>>
      tpu.enqueue_dma source(%arg9 : memref<8x1x4096xf32, #tpu.memory_space<vmem>>) target(%dma_start3A_475 : memref<8x1x4096xf32, #tpu.memory_space<hbm>>) target_semaphore(%arg13 : memref<!tpu.dma_semaphore, #tpu.memory_space<semaphore_mem>>)
    }
    %scan3A_45 = arith.constant 25 : i32
    %add3A_46 = arith.constant 50 : i32
    %add3A_47 = arith.addi %mul3A_34, %add3A_46 : i32
    %sub3A_48 = arith.constant 2 : i32
    %sub3A_49 = arith.subi %add3A_47, %sub3A_48 : i32
    %dma_wait3A = arith.constant 0 : i32
    %dma_wait3A_50 = arith.constant 0 : i32
    %dma_wait3A_51 = tpu.memref_slice %arg4[%sub3A_49, %mul3A_11, %dma_wait3A, %dma_wait3A_50] : memref<200x64x1x4096xf32, #tpu.memory_space<hbm>> -> memref<1x8x1x4096xf32, #tpu.memory_space<hbm>>
    %dma_wait3A_52 = tpu.memref_squeeze %dma_wait3A_51 : memref<1x8x1x4096xf32, #tpu.memory_space<hbm>> -> memref<8x1x4096xf32, #tpu.memory_space<hbm>>
    %dma_wait3A_53 = arith.constant 0 : i32
    %dma_wait3A_54 = arith.constant 0 : i32
    %dma_wait3A_55 = tpu.memref_slice %arg4[%sub3A_49, %mul3A_11, %dma_wait3A_53, %dma_wait3A_54] : memref<200x64x1x4096xf32, #tpu.memory_space<hbm>> -> memref<1x8x1x4096xf32, #tpu.memory_space<hbm>>
    %dma_wait3A_56 = tpu.memref_squeeze %dma_wait3A_55 : memref<1x8x1x4096xf32, #tpu.memory_space<hbm>> -> memref<8x1x4096xf32, #tpu.memory_space<hbm>>
    tpu.wait_dma2 semaphore(%arg12 : memref<!tpu.dma_semaphore, #tpu.memory_space<semaphore_mem>>) src(%arg8 : memref<8x1x4096xf32, #tpu.memory_space<vmem>>) dst(%dma_wait3A_56 : memref<8x1x4096xf32, #tpu.memory_space<hbm>>)
    %add3A_57 = arith.constant 50 : i32
    %add3A_58 = arith.addi %mul3A_34, %add3A_57 : i32
    %sub3A_59 = arith.constant 1 : i32
    %sub3A_60 = arith.subi %add3A_58, %sub3A_59 : i32
    %dma_wait3A_61 = arith.constant 0 : i32
    %dma_wait3A_62 = arith.constant 0 : i32
    %dma_wait3A_63 = tpu.memref_slice %arg4[%sub3A_60, %mul3A_11, %dma_wait3A_61, %dma_wait3A_62] : memref<200x64x1x4096xf32, #tpu.memory_space<hbm>> -> memref<1x8x1x4096xf32, #tpu.memory_space<hbm>>
    %dma_wait3A_64 = tpu.memref_squeeze %dma_wait3A_63 : memref<1x8x1x4096xf32, #tpu.memory_space<hbm>> -> memref<8x1x4096xf32, #tpu.memory_space<hbm>>
    %dma_wait3A_65 = arith.constant 0 : i32
    %dma_wait3A_66 = arith.constant 0 : i32
    %dma_wait3A_67 = tpu.memref_slice %arg4[%sub3A_60, %mul3A_11, %dma_wait3A_65, %dma_wait3A_66] : memref<200x64x1x4096xf32, #tpu.memory_space<hbm>> -> memref<1x8x1x4096xf32, #tpu.memory_space<hbm>>
    %dma_wait3A_68 = tpu.memref_squeeze %dma_wait3A_67 : memref<1x8x1x4096xf32, #tpu.memory_space<hbm>> -> memref<8x1x4096xf32, #tpu.memory_space<hbm>>
    tpu.wait_dma2 semaphore(%arg13 : memref<!tpu.dma_semaphore, #tpu.memory_space<semaphore_mem>>) src(%arg9 : memref<8x1x4096xf32, #tpu.memory_space<vmem>>) dst(%dma_wait3A_68 : memref<8x1x4096xf32, #tpu.memory_space<hbm>>)
    return
  }
}

</mosaic_0001>

<sc_bundles>
// kernel: kernel.3.cloned.1.call-start
scs
__scs_entry_jumppad:
0x0: {  	(pc) =	sbr.rel $0x88, $3  }
0x1: {  	(tag) =	ssettag $0x0;
	lr =	simm.s32 $0x1  }
0x2: {  	[smem:$0x3F9F] =	sst lr;
	_ =	strace $0xD0000000  }
0x3: {  	_ = 	snop  }
0x4: {  	_ = 	snop  }
0x5: {  	_ = 	snop  }
0x6: {  	_ = 	snop  }
0x7: {  	_ = 	snop  }
__scs_overlays_trampoline_lowered:
0x8: {  	[smem:$0x3FAE] =	sst s0  }
0x9: {  	[smem:$0x3FAF] =	sst s1  }
0xa: {  	[smem:$0x3FB0] =	sst s2  }
0xb: {  	[smem:$0x3FB1] =	sst s3  }
0xc: {  	[smem:$0x3FB2] =	sst s4  }
0xd: {  	[smem:$0x3FB3] =	sst s5  }
0xe: {  	[smem:$0x3FB4] =	sst s6  }
0xf: {  	[smem:$0x3FB5] =	sst s7  }
0x10: {  	[smem:$0x3FB6] =	sst s8  }
0x11: {  	[smem:$0x3FB7] =	sst s9;
	s0 =	simm.s32 @!p0 $0x0  }
0x12: {  	s1 =	sld [smem:$0x3F9D];
	s0 =	simm.s32 @p0 $0x1  }
0x13: {  	[smem:$0x3FB8] =	sst s0;
	s0 =	simm.s32 @!p1 $0x0  }
0x14: {  	s2 =	sld [smem:$0x3F9C];
	s0 =	simm.s32 @p1 $0x1  }
0x15: {  	[smem:$0x3FB9] =	sst s0;
	s0 =	simm.s32 @!p2 $0x0  }
0x16: {  	s3 =	sld [smem:$0x3FDB];
	s0 =	simm.s32 @p2 $0x1  }
0x17: {  	s4 =	simm.s32 $0x1BF5;
	[smem:$0x3FBB] =	sst s0  }
0x18: {  	s0 =	sld [smem:$0x3F9E];
	_ =	swait.ge [sflag:s4], $0x0  }
0x19: {  	s7 =	sld [smem:$0x3F9F]  }
0x1a: {  	s8 =	sadd.s32 $0xFFFFE003, lr  }
0x1b: {  	s9 =	sadd.s32 $0xFFFFFEF7, lr;
	s5 =	simm.s32 $0xFFFFFFFF;
	p2 =	slt.u32 s8, $0xFFFFF086  }
0x1c: {  	p1 =	slt.u32 s9, $0xF7A;
	s5 =	simm.s32 @!p2 $0x0  }
0x1d: {  	s5 =	simm.s32 @p1 $0x1;
	p0 =	seq.s32 s7, s2  }
0x1e: {  	s7 =	smul.u32 @!p0 $0xF7A, s2;
	p2 =	seq.s32 @!p0 s5, $0x0  }
0x1f: {  	s9 =	smul.u32 $0xF7A, s1;
	s8 =	simm.s32 @!p0 $0x1BF5;
	p2 =	por !p2, p0  }
0x20: {  	[sflag:s8] =	ssyncset.s32 @!p0 $0xFFFFF086;
	s6 =	sadd.s32 @!p0 s3, s7;
	s7 =	simm.s32 @!p0 $0x108  }
0x21: {  	s3 =	sadd.s32 s3, s9;
	s6 =	sadd.s32 @!p0 $0x88, s6;
	s7 =	simm.s32 @p2 $0x1082  }
0x22: {  	[simem:s7], [sflag:s8] =	dma.local @!p0 [hbm:s6], $0xF7A  }
0x23: {  	s9 =	sor.u32 $0xD0000000, s2;
	s6 =	simm.s32 $0x108;
	_ =	swait.ge @!p0 [sflag:s8], $0x0  }
0x24: {  	s3 =	sadd.s32 $0x88, s3;
	s6 =	simm.s32 @!p1 $0x1082;
	[sflag:s4] =	ssyncset.s32 $0xFFFFF086  }
0x25: {  	[simem:s6], [sflag:s4] =	dma.local [hbm:s3], $0xF7A  }
0x26: {  	[smem:$0x3F9F] =	sst s1;
	(tag) =	ssettag s2;
	_ =	strace s9  }
0x27: {  	s1 =	sld [smem:$0x3FAF]  }
0x28: {  	s2 =	sld [smem:$0x3FB0]  }
0x29: {  	s4 =	sld [smem:$0x3FB2]  }
0x2a: {  	p0 =	seq.s32 s5, $0x0;
	s5 =	sld [smem:$0x3FB3]  }
0x2b: {  	s6 =	sld [smem:$0x3FB4]  }
0x2c: {  	s7 =	sld [smem:$0x3FB5]  }
0x2d: {  	s3 =	simm.s32 $0x108;
	s8 =	sld [smem:$0x3FB6]  }
0x2e: {  	s3 =	simm.s32 @!p0 $0x1082;
	s9 =	sld [smem:$0x3FB7]  }
0x2f: {  	lr =	sadd.s32 s0, s3;
	s0 =	sld [smem:$0x3FAE]  }
0x30: {  	s3 =	sld [smem:$0x3FB1]  }
0x31: {  	[smem:$0x3FBA] =	sst s10  }
0x32: {  	s10 =	sld [smem:$0x3FB8];
	_ =	sdelay $0x3  }
0x33: {  	p0 =	seq.s32 s10, $0x1;
	s10 =	sld [smem:$0x3FBA];
	_ =	sdelay $0x3  }
0x34: {  	[smem:$0x3FBA] =	sst s10  }
0x35: {  	s10 =	sld [smem:$0x3FB9];
	_ =	sdelay $0x3  }
0x36: {  	p1 =	seq.s32 s10, $0x1;
	s10 =	sld [smem:$0x3FBA];
	_ =	sdelay $0x3  }
0x37: {  	[smem:$0x3FBA] =	sst s10  }
0x38: {  	s10 =	sld [smem:$0x3FBB]  }
0x39: {  	_ = 	snop;
	(pc) =	sbr.ind lr, $3  }
0x3a: {  	_ = 	snop  }
0x3b: {  	_ = 	snop  }
0x3c: {  	p2 =	seq.s32 s10, $0x1;
	s10 =	sld [smem:$0x3FBA]  }
0x3d: {  	_ =	shalt  }
0x3e: {  	_ =	shalt  }
0x3f: {  	_ =	shalt  }
0x40: {  	_ =	shalt  }
0x41: {  	_ =	shalt  }
0x42: {  	_ =	shalt  }
0x43: {  	_ =	shalt  }
0x44: {  	_ =	shalt  }
0x45: {  	_ =	shalt  }
0x46: {  	_ =	shalt  }
0x47: {  	_ =	shalt  }
0x48: {  	_ =	shalt  }
0x49: {  	_ =	shalt  }
0x4a: {  	_ =	shalt  }
0x4b: {  	_ =	shalt  }
0x4c: {  	_ =	shalt  }
0x4d: {  	_ =	shalt  }
0x4e: {  	_ =	shalt  }
0x4f: {  	_ =	shalt  }
0x50: {  	_ =	shalt  }
0x51: {  	_ =	shalt  }
0x52: {  	_ =	shalt  }
0x53: {  	_ =	shalt  }
0x54: {  	_ =	shalt  }
0x55: {  	_ =	shalt  }
0x56: {  	_ =	shalt  }
0x57: {  	_ =	shalt  }
0x58: {  	_ =	shalt  }
0x59: {  	_ =	shalt  }
0x5a: {  	_ =	shalt  }
0x5b: {  	_ =	shalt  }
0x5c: {  	_ =	shalt  }
0x5d: {  	_ =	shalt  }
0x5e: {  	_ =	shalt  }
0x5f: {  	_ =	shalt  }
0x60: {  	_ =	shalt  }
0x61: {  	_ =	shalt  }
0x62: {  	_ =	shalt  }
0x63: {  	_ =	shalt  }
0x64: {  	_ =	shalt  }
0x65: {  	_ =	shalt  }
0x66: {  	_ =	shalt  }
0x67: {  	_ =	shalt  }
0x68: {  	_ =	shalt  }
0x69: {  	_ =	shalt  }
0x6a: {  	_ =	shalt  }
0x6b: {  	_ =	shalt  }
0x6c: {  	_ =	shalt  }
0x6d: {  	_ =	shalt  }
0x6e: {  	_ =	shalt  }
0x6f: {  	_ =	shalt  }
0x70: {  	_ =	shalt  }
0x71: {  	_ =	shalt  }
0x72: {  	_ =	shalt  }
0x73: {  	_ =	shalt  }
0x74: {  	_ =	shalt  }
0x75: {  	_ =	shalt  }
0x76: {  	_ =	shalt  }
0x77: {  	_ =	shalt  }
0x78: {  	_ =	shalt  }
0x79: {  	_ =	shalt  }
0x7a: {  	_ =	shalt  }
0x7b: {  	_ =	shalt  }
0x7c: {  	_ =	shalt  }
0x7d: {  	_ =	shalt  }
0x7e: {  	_ =	shalt  }
0x7f: {  	_ =	shalt  }
0x80: {  	_ =	shalt  }
0x81: {  	_ =	shalt  }
0x82: {  	_ =	shalt  }
0x83: {  	_ =	shalt  }
0x84: {  	_ =	shalt  }
0x85: {  	_ =	shalt  }
0x86: {  	_ =	shalt  }
0x87: {  	_ =	shalt  }
.Lfunc_end0:
.L_simem_size_0:
called_computation_lowered:
.L_overlay_start_0:
0x88: {  	s2 =	sld [smem:$0x3FD9]  }
0x89: {  	s3 =	sld [smem:$0x3FFE];
	_ =	sdelay $0x1  }
0x8a: {  	s1 =	srdreg.scid  }
0x8b: {  	s0 =	sand.u32 $0x1, s1  }
0x8c: {  	s17 =	sshll.u32 s0, $0xA;
	s2 =	sadd.s32 s3, s2  }
0x8d: {  	s2 =	sadd.s32 s2, s17  }
0x8e: {  	[smem:$0x3FC6] =	sst s2  }
0x8f: {  	_ = 	snop  }
0x90: {  	s2 =	sld [smem:$0x3FD0];
	(tm) =	ssettm $0x1  }
0x91: {  	s18 =	sld [smem:$0x3FFB];
	_ =	sdelay $0x3  }
0x92: {  	_ =	strace s18  }
0x93: {  	s3 =	sld [smem:$0x3FFC];
	_ =	sdelay $0x3  }
0x94: {  	_ =	strace s3  }
0x95: {  	s3 =	sld [smem:$0x3FFD];
	_ =	sdelay $0x3  }
0x96: {  	_ =	strace s3  }
0x97: {  	_ =	strace $0x8FFFFFFF  }
0x98: {  	s19 =	sld [smem:$0x3FDB];
	_ =	sdelay $0x1  }
0x99: {  	s4 =	simm.s32 $_scs_section_size  }
0x9a: {  	s5 =	simm.s32 $_size__tile_overlayer_lowered;
	s6 =	simm.s32 $_tile_overlayer_lowered  }
0x9b: {  	s22 =	simm.s32 $0x1BFF;
	s21 =	sshll.u32 s6, $0x1;
	s3 =	sadd.s32 s4, s19  }
0x9c: {  	s7 =	simm.s32 $0x0;
	s20 =	sshll.u32 s5, $0x1;
	s5 =	sadd.s32 s21, s3  }
0x9d: {  	[timem:s7], [sflag:s22] =	dma.local [hbm:s5], s20  }
0x9e: {  	_ =	swait.ge [sflag:s22], s20  }
0x9f: {  	s4 =	ssub.s32 $0x0, s20;
	[sflag:s22] =	ssyncset.done $0x0  }
0xa0: {  	[sflag:s22] =	ssyncadd.s32 s4;
	_ =	sdelay $0x1  }
0xa1: {  	s23 =	simm.s32 $0x1B8B  }
0xa2: {  	_ =	swait.ge [sflag:s23], $0x1  }
0xa3: {  	[sflag:s23] =	ssyncset.done $0x0  }
0xa4: {  	s25 =	simm.s32 $0x1B8E;
	s24 =	sld [smem:$0x3FFE];
	[sflag:s23] =	ssyncadd.s32 $0xFFFFFFFF  }
0xa5: {  	s26 =	simm.s32 $execute0_lowered;
	[smem:$0x3FD2] =	sst s25  }
0xa6: {  	s5 =	sshll.u32 s26, $0x1;
	_ =	strace $0x80000046;
	[dreg:$0x1] =	wrdreg $0xFFFFFFFF  }
0xa7: {  	s28 =	simm.s32 $_size_execute0_lowered;
	s3 =	sadd.s32 s3, s5;
	[dreg:$0x0] =	wrdreg $0x0  }
0xa8: {  	s5 =	sshll.u32 s28, $0x1;
	[dreg:$0x2] =	wrdreg s3  }
0xa9: {  	[dreg:$0x3] =	wrdreg s5  }
0xaa: {  	[dreg:$0x4] =	wrdreg $0xC0  }
0xab: {  	_ =	task [dreg:s7], $0x5FFFF  }
0xac: {  	[dreg:$0x1] =	wrdreg $0xFFFFFFFF  }
0xad: {  	[dreg:$0x0] =	wrdreg $0x60  }
0xae: {  	[dreg:$0x2] =	wrdreg s24  }
0xaf: {  	[dreg:$0x3] =	wrdreg s2  }
0xb0: {  	[dreg:$0x4] =	wrdreg $0x0  }
0xb1: {  	[dreg:$0x5] =	wrdreg $0x9  }
0xb2: {  	_ =	task.clear_ibuf [dreg:s7], $0x6FFFF;
	_ =	strace $0x90000046  }
0xb3: {  	s29 =	simm.s32 $0x9;
	_ =	strace $0x80000048  }
0xb4: {  	_ =	swait.ge [sflag:s29], $0x1  }
0xb5: {  	[sflag:s29] =	ssyncadd.s32 $0xFFFFFFFF  }
0xb6: {  	_ =	strace $0x90000048  }
0xb7: {  	_ =	sfence  }
0xb8: {  	s30 =	sld [smem:$0x0];
	_ =	sdelay $0x2  }
0xb9: {  	s31 =	sshll.u32 s1, $0xD;
	s1 =	sshrl.u32 s1, $0x2  }
0xba: {  	s3 =	sand.u32 $0x4000, s31;
	s1 =	sadd.s32 s1, s30  }
0xbb: {  	s0 =	sor.u32 s3, s0;
	s1 =	sshll.u32 s1, $0x11  }
0xbc: {  	s0 =	sor.u32 s1, s0  }
0xbd: {  	s0 =	sadd.s32 $0x8F2B, s0  }
0xbe: {  	[sflag:s0] =	ssyncadd.remote.s32 $0x1  }
0xbf: {  	_ =	sfence.sel $0xFFFF  }
0xc0: {  	[dreg:$0x0] =	wrdreg $0xFFFFFFFF;
	(pc) =	sbr.abs _section_cstart, $3  }
0xc1: {  	[dreg:$0x1] =	wrdreg $0xFFFFFFFF  }
0xc2: {  	_ =	task.clear_ibuf [dreg:s7], $0x2FFFF;
	_ =	strace $0x9FFFFFFF  }
0xc3: {  	(tm) =	ssettm $0x7FFFFFFF  }
tec
execute0_lowered:
.L_overlay_start_1:
0x0: {  	(tag) =	ssettag $0x1  }
0x1: {  	s0 =	rddreg [dreg:$0x0]  }
0x2: {  	s2 =	rddreg [dreg:$0x1]  }
0x3: {  	s12 =	rddreg [dreg:$0x2]  }
0x4: {  	s13 =	stileid.u32;
	s1 =	srdreg.scid  }
0x5: {  	s16 =	simm.s32 $0x3000;
	s17 =	simm.s32 $0x1;
	s18 =	simm.s32 $0x4000  }
0x6: {  	s19 =	simm.s32 $0x1000;
	s20 =	simm.s32 $0x5000;
	s29 =	simm.s32 $0x5  }
0x7: {  	s30 =	simm.s32 $0x2;
	s31 =	simm.s32 $0xD000;
	s21 =	simm.s32 $0x14000  }
0x8: {  	s22 =	simm.s32 $0x4;
	s3 =	sshll.u32 s13, $0x1;
	s4 =	sshrl.u32 s13, $0x2  }
0x9: {  	s7 =	sand.u32 $0x1, s1;
	s1 =	simm.s32 $0x0;
	s25 =	sand.u32 $0x3, s13  }
0xa: {  	p0 =	sne.s32 s13, $0x0;
	s13 =	simm.s32 $0x11000;
	s3 =	sand.u32 $0x6, s3  }
0xb: {  	s5 =	smul.u32 $0x6400, s4;
	[smem:$0x7FF] =	sst s1;
	s6 =	ssub.s32 $0x2, s7  }
0xc: {  	s24 =	smul.u32 $0xC80000, s4;
	s9 =	sshll.u32 s25, $0x10;
	s10 =	sshll.u32 s7, $0xF  }
0xd: {  	s3 =	sor.u32 s7, s3;
	_ =	strace $0x80000047;
	s8 =	sshrl.u32 s6, $0x1  }
0xe: {  	s3 =	smul.u32 $0x18000, s3;
	s5 =	sadd.s32 s5, s0;
	s0 =	sadd.s32 $0x400, s0  }
0xf: {  	s23 =	ssub.s32 s6, s8;
	s9 =	sor.u32 s9, s24;
	[dreg:$0x4] =	wrdreg s0  }
0x10: {  	s4 =	sadd.s32 $0x6400, s5;
	s14 =	sor.u32 s10, s9;
	s0 =	smax.u32 s23, $0x1  }
0x11: {  	s23 =	simm.s32 $0x0;
	s3 =	sshrl.u32 s3, $0x2;
	s15 =	sor.u32 $0x40000, s14  }
0x12: {  	[dreg:$0x5] =	wrdreg s0;
	s28 =	sshrl.u32 s14, $0x3;
	s14 =	simm.s32 $0x13000  }
0x13: {  	s3 =	sadd.s32 s3, s12;
	s26 =	sshrl.u32 s15, $0x3;
	s15 =	simm.s32 $0x12000  }
0x14: {  	s5 =	sadd.s32 $0xC00, s3;
	s6 =	sadd.s32 $0x1800, s3;
	s7 =	sadd.s32 $0x2400, s3  }
0x15: {  	s8 =	sadd.s32 $0x3000, s3;
	s9 =	sadd.s32 $0x3C00, s3;
	s0 =	sadd.s32 s26, s2  }
0x16: {  	s10 =	sadd.s32 $0x4800, s3;
	[dreg:$0x6] =	wrdreg s0;
	s0 =	sadd.s32 s28, s2  }
0x17: {  	s11 =	sadd.s32 $0x5400, s3;
	[dreg:$0x7] =	wrdreg s0;
	s0 =	sshrl.u32 @!p0 s12, $0x3  }
0x18: {  	s2 =	simm.s32 $0xF000;
	s12 =	simm.s32 $0x10000;
	[dreg:$0x8] =	wrdreg s0  }
.LBB2_1:
0x19: {  	[dreg:$0x9] =	wrdreg s23  }
0x1a: {  	s0 =	rddreg [dreg:$0x4]  }
0x1b: {  	s23 =	simm.s32 @!p0 $0x1C06;
	s24 =	rddreg [dreg:$0x8]  }
0x1c: {  	[spmem:s24], [sflag:s23] =	dma.local @!p0 [hbm:s0], $0x6000  }
0x1d: {  	s23 =	simm.s32 @!p0 $0x6  }
0x1e: {  	_ =	swait.ge @!p0 [sflag:s23], $0x6000  }
0x1f: {  	[sflag:s23] =	ssyncset.done @!p0 $0x0  }
0x20: {  	[sflag:s23] =	ssyncadd.s32 @!p0 $0xFFFFA000  }
0x21: {  	[bflag:$0x0] =	sbarrier.arrive $0xFFFF  }
0x22: {  	[tilespmem:s16], [sflag:$0x1] =	stream.linear.gather [hbm4b:s4+s1], $0x1000, $0x38;
	[tilespmem:$0x15000] =	vst v63  }
0x23: {  	s23 =	rddreg [dreg:$0x7]  }
0x24: {  	s25 =	simm.s32 $0x0;
	s24 =	rddreg [dreg:$0x6]  }
.LBB2_2:
0x25: {  	_ =	swait.ge [sflag:s17], $0x1000  }
0x26: {  	s26 =	sadd.s32 s25, s4;
	[sflag:s17] =	ssyncset.done $0x0  }
0x27: {  	p1 =	seq.s32 s25, $0x0;
	s26 =	sadd.s32 $0x200, s26;
	[sflag:s17] =	ssyncadd.s32 $0xFFFFF000  }
0x28: {  	[tilespmem:s18], [sflag:$0x2] =	stream.linear.gather [hbm4b:s26+s1], $0x1000, $0x38;
	[tilespmem:$0x15000] =	vst v63  }
0x29: {  	s26 =	simm.s32 @!p1 $0x3  }
0x2a: {  	_ =	swait.ge @!p1 [sflag:s26], $0x8000  }
0x2b: {  	[sflag:s26] =	ssyncset.done @!p1 $0x0  }
0x2c: {  	[sflag:s26] =	ssyncadd.s32 @!p1 $0xFFFF8000  }
0x2d: {  	[tilespmem:s20], [sflag:$0x5] =	stream.indirect.gather [spmem:s3], $0x1, s16, s19, $0xb8;
	[tilespmem:$0x15000] =	vst v63  }
0x2e: {  	s0 =	simm.s32 $0x6000  }
0x2f: {  	[tilespmem:s0], [sflag:$0x5] =	stream.indirect.gather [spmem:s5], $0x1, s16, s19, $0xb8;
	[tilespmem:$0x15000] =	vst v63  }
0x30: {  	s28 =	simm.s32 $0x7000  }
0x31: {  	[tilespmem:s28], [sflag:$0x5] =	stream.indirect.gather [spmem:s6], $0x1, s16, s19, $0xb8;
	[tilespmem:$0x15000] =	vst v63  }
0x32: {  	s26 =	simm.s32 $0x8000  }
0x33: {  	[tilespmem:s26], [sflag:$0x5] =	stream.indirect.gather [spmem:s7], $0x1, s16, s19, $0xb8;
	[tilespmem:$0x15000] =	vst v63  }
0x34: {  	s28 =	simm.s32 $0x9000  }
0x35: {  	[tilespmem:s28], [sflag:$0x5] =	stream.indirect.gather [spmem:s8], $0x1, s16, s19, $0xb8;
	[tilespmem:$0x15000] =	vst v63  }
0x36: {  	s26 =	simm.s32 $0xA000  }
0x37: {  	[tilespmem:s26], [sflag:$0x5] =	stream.indirect.gather [spmem:s9], $0x1, s16, s19, $0xb8;
	[tilespmem:$0x15000] =	vst v63  }
0x38: {  	s28 =	simm.s32 $0xB000  }
0x39: {  	[tilespmem:s28], [sflag:$0x5] =	stream.indirect.gather [spmem:s10], $0x1, s16, s19, $0xb8;
	[tilespmem:$0x15000] =	vst v63  }
0x3a: {  	s26 =	simm.s32 $0xC000  }
0x3b: {  	[tilespmem:s26], [sflag:$0x5] =	stream.indirect.gather [spmem:s11], $0x1, s16, s19, $0xb8;
	[tilespmem:$0x15000] =	vst v63  }
0x3c: {  	_ =	swait.ge [sflag:s29], $0x1000  }
0x3d: {  	[sflag:s29] =	ssyncset.done $0x0  }
0x3e: {  	[sflag:s29] =	ssyncadd.s32 $0xFFFFF000  }
0x3f: {  	_ =	swait.ge [sflag:s29], $0x1000  }
0x40: {  	[sflag:s29] =	ssyncset.done $0x0  }
0x41: {  	[sflag:s29] =	ssyncadd.s32 $0xFFFFF000  }
0x42: {  	_ =	swait.ge [sflag:s29], $0x1000  }
0x43: {  	[sflag:s29] =	ssyncset.done $0x0  }
0x44: {  	[sflag:s29] =	ssyncadd.s32 $0xFFFFF000  }
0x45: {  	_ =	swait.ge [sflag:s29], $0x1000  }
0x46: {  	[sflag:s29] =	ssyncset.done $0x0  }
0x47: {  	[sflag:s29] =	ssyncadd.s32 $0xFFFFF000  }
0x48: {  	_ =	swait.ge [sflag:s29], $0x1000  }
0x49: {  	[sflag:s29] =	ssyncset.done $0x0  }
0x4a: {  	[sflag:s29] =	ssyncadd.s32 $0xFFFFF000  }
0x4b: {  	_ =	swait.ge [sflag:s29], $0x1000  }
0x4c: {  	[sflag:s29] =	ssyncset.done $0x0  }
0x4d: {  	[sflag:s29] =	ssyncadd.s32 $0xFFFFF000  }
0x4e: {  	_ =	swait.ge [sflag:s29], $0x1000  }
0x4f: {  	[sflag:s29] =	ssyncset.done $0x0  }
0x50: {  	[sflag:s29] =	ssyncadd.s32 $0xFFFFF000  }
0x51: {  	_ =	swait.ge [sflag:s29], $0x1000  }
0x52: {  	[sflag:s29] =	ssyncset.done $0x0  }
0x53: {  	p1 =	seq.s32 s25, $0x6000;
	[sflag:s29] =	ssyncadd.s32 $0xFFFFF000  }
0x54: {  	[hbm4b:s23+s1] =	stream.linear.scatter [tilespmem:s20], [sflag:$0x3], $0x8000, $0x38;
	[tilespmem:$0x15000] =	vst v63  }
0x55: {  	p2 =	seq.s32 @!p1 s25, $0x0;
	_ =	swait.ge [sflag:s30], $0x1000  }
0x56: {  	s0 =	simm.s32 @!p1 $0x3000;
	s26 =	sadd.s32 @!p1 s25, s4;
	[sflag:s30] =	ssyncset.done $0x0  }
0x57: {  	s28 =	simm.s32 @!p1 $0x0;
	s26 =	sadd.s32 @!p1 $0x400, s26;
	[sflag:s30] =	ssyncadd.s32 $0xFFFFF000  }
0x58: {  	[tilespmem:s0], [sflag:$0x1] =	stream.linear.gather @!p1 [hbm4b:s26+s28], $0x1000, $0x38;
	[tilespmem:$0x15000] =	vst v63  }
0x59: {  	p1 =	por p1, !p2  }
0x5a: {  	_ =	swait.ge @p1 [sflag:s22], $0x8000  }
0x5b: {  	[sflag:s22] =	ssyncset.done @p1 $0x0  }
0x5c: {  	[sflag:s22] =	ssyncadd.s32 @p1 $0xFFFF8000  }
0x5d: {  	[tilespmem:s31], [sflag:$0x5] =	stream.indirect.gather [spmem:s3], $0x1, s18, s19, $0xb8;
	[tilespmem:$0x15000] =	vst v63  }
0x5e: {  	s28 =	simm.s32 $0xE000  }
0x5f: {  	[tilespmem:s28], [sflag:$0x5] =	stream.indirect.gather [spmem:s5], $0x1, s18, s19, $0xb8;
	[tilespmem:$0x15000] =	vst v63  }
0x60: {  	_ = 	snop  }
0x61: {  	[tilespmem:s2], [sflag:$0x5] =	stream.indirect.gather [spmem:s6], $0x1, s18, s19, $0xb8;
	[tilespmem:$0x15000] =	vst v63  }
0x62: {  	_ = 	snop  }
0x63: {  	[tilespmem:s12], [sflag:$0x5] =	stream.indirect.gather [spmem:s7], $0x1, s18, s19, $0xb8;
	[tilespmem:$0x15000] =	vst v63  }
0x64: {  	_ = 	snop  }
0x65: {  	[tilespmem:s13], [sflag:$0x5] =	stream.indirect.gather [spmem:s8], $0x1, s18, s19, $0xb8;
	[tilespmem:$0x15000] =	vst v63  }
0x66: {  	_ = 	snop  }
0x67: {  	[tilespmem:s15], [sflag:$0x5] =	stream.indirect.gather [spmem:s9], $0x1, s18, s19, $0xb8;
	[tilespmem:$0x15000] =	vst v63  }
0x68: {  	_ = 	snop  }
0x69: {  	[tilespmem:s14], [sflag:$0x5] =	stream.indirect.gather [spmem:s10], $0x1, s18, s19, $0xb8;
	[tilespmem:$0x15000] =	vst v63  }
0x6a: {  	_ = 	snop  }
0x6b: {  	[tilespmem:s21], [sflag:$0x5] =	stream.indirect.gather [spmem:s11], $0x1, s18, s19, $0xb8;
	[tilespmem:$0x15000] =	vst v63  }
0x6c: {  	_ =	swait.ge [sflag:s29], $0x1000  }
0x6d: {  	[sflag:s29] =	ssyncset.done $0x0  }
0x6e: {  	[sflag:s29] =	ssyncadd.s32 $0xFFFFF000  }
0x6f: {  	_ =	swait.ge [sflag:s29], $0x1000  }
0x70: {  	[sflag:s29] =	ssyncset.done $0x0  }
0x71: {  	[sflag:s29] =	ssyncadd.s32 $0xFFFFF000  }
0x72: {  	_ =	swait.ge [sflag:s29], $0x1000  }
0x73: {  	[sflag:s29] =	ssyncset.done $0x0  }
0x74: {  	[sflag:s29] =	ssyncadd.s32 $0xFFFFF000  }
0x75: {  	_ =	swait.ge [sflag:s29], $0x1000  }
0x76: {  	[sflag:s29] =	ssyncset.done $0x0  }
0x77: {  	[sflag:s29] =	ssyncadd.s32 $0xFFFFF000  }
0x78: {  	_ =	swait.ge [sflag:s29], $0x1000  }
0x79: {  	[sflag:s29] =	ssyncset.done $0x0  }
0x7a: {  	[sflag:s29] =	ssyncadd.s32 $0xFFFFF000  }
0x7b: {  	_ =	swait.ge [sflag:s29], $0x1000  }
0x7c: {  	[sflag:s29] =	ssyncset.done $0x0  }
0x7d: {  	[sflag:s29] =	ssyncadd.s32 $0xFFFFF000  }
0x7e: {  	_ =	swait.ge [sflag:s29], $0x1000  }
0x7f: {  	s25 =	sadd.s32 $0x400, s25;
	[sflag:s29] =	ssyncset.done $0x0  }
0x80: {  	p1 =	sne.s32 s25, $0x6400;
	[sflag:s29] =	ssyncadd.s32 $0xFFFFF000  }
.Ltmp0:
0x81: {  	_ =	swait.ge [sflag:s29], $0x1000;
	(pc) =	sbr.rel @p1 .LBB2_2-.Ltmp0, $4  }
0x82: {  	[sflag:s29] =	ssyncset.done $0x0  }
0x83: {  	[sflag:s29] =	ssyncadd.s32 $0xFFFFF000  }
0x84: {  	[hbm4b:s24+s1] =	stream.linear.scatter [tilespmem:s31], [sflag:$0x4], $0x8000, $0x38;
	[tilespmem:$0x15000] =	vst v63  }
0x85: {  	s23 =	sadd.s32 $0x10000, s23;
	s24 =	sadd.s32 $0x10000, s24  }
0x86: {  	s0 =	simm.s32 $0x3  }
0x87: {  	_ =	swait.ge [sflag:s0], $0x8000  }
0x88: {  	[sflag:s0] =	ssyncset.done $0x0  }
0x89: {  	[sflag:s0] =	ssyncadd.s32 $0xFFFF8000  }
0x8a: {  	_ =	swait.ge [sflag:s22], $0x8000  }
0x8b: {  	s23 =	rddreg [dreg:$0x9]  }
0x8c: {  	s28 =	rddreg [dreg:$0x5];
	s23 =	sadd.s32 $0x1, s23  }
0x8d: {  	p1 =	sne.s32 s23, s28  }
.Ltmp1:
0x8e: {  	_ = 	snop;
	(pc) =	sbr.rel @p1 .LBB2_1-.Ltmp1, $3  }
0x8f: {  	_ =	sdelay $0x1  }
0x90: {  	[sflag:s22] =	ssyncset.done $0x0  }
0x91: {  	[sflag:s22] =	ssyncadd.s32 $0xFFFF8000  }
0x92: {  	_ =	sfence.sel $0x180000  }
0x93: {  	[bflag:$0x0] =	sbarrier.arrive $0xFFFF  }
0x94: {  	_ =	strace $0x90000047  }
0x95: {  	[bflag:$0x2] =	sbarrier.arrive $0xFFFF  }
0x96: {  	s0 =	rddreg [dreg:$0x3]  }
0x97: {  	s0 =	sadd.s32 @!p0 $0x100000, s0  }
0x98: {  	[sflag:s0] =	ssyncadd.tile.s32 @!p0 $0x1;
	_ =	shalt  }
.Lfunc_end2:
_tile_overlayer_lowered:
.L_overlay_start_2:
0x99: {  	(tag) =	ssettag $0x2  }
0x9a: {  	s0 =	rddreg [dreg:$0x0];
	s2 =	stileid.u32  }
0x9b: {  	s1 =	rddreg [dreg:$0x1];
	p0 =	sne.s32 s2, $0x0  }
0x9c: {  	s3 =	rddreg [dreg:$0x2];
	[bflag:$0x3] =	sbarrier.arrive $0xFFFF;
	s2 =	simm.s32 @!p0 $0x1C06  }
0x9d: {  	[timem:s3], [sflag:s2] =	dma.local @!p0 [hbm:s0], s1  }
0x9e: {  	s0 =	simm.s32 @!p0 $0x6  }
0x9f: {  	_ =	swait.ge @!p0 [sflag:s0], s1  }
0xa0: {  	s1 =	ssub.s32 @!p0 $0x0, s1;
	[sflag:s0] =	ssyncset.done @!p0 $0x0  }
0xa1: {  	[sflag:s0] =	ssyncadd.s32 @!p0 s1  }
0xa2: {  	[bflag:$0x3] =	sbarrier.arrive $0xFFFF  }
0xa3: {  	_ =	shalt  }

</sc_bundles>
